<compile_context>
chip_gen: v7x
topology: tpu7x:2x2x1
jax: 0.10.2.dev20260603
libtpu: 0.0.44.dev20260713+nightly
codegen_flags: <defaults>
</compile_context>

<pallas_src>
import jax
import jax.numpy as jnp
from jax import lax
from jax.experimental import pallas as pl
from jax.experimental.pallas import tpu as pltpu
from jax.experimental.pallas import tpu_sc as plsc

BATCH = 16384
D = 128
NC = 2
NS = 16
NW = NC * NS
LANES = 16
COLS = D // LANES
ROWS_W = BATCH // NW
NCH = 8
ROWS_CH = ROWS_W // NCH


def _sc_body(label_hbm, x_hbm, scale_hbm, offset_hbm, out_hbm,
             idx_v, srow, orow, b0, b1, b2, b3, b4, b5, b6, b7,
             sem_g, si0, si1, si2, si3, si4, si5, si6, si7,
             so0, so1, so2, so3, so4, so5, so6, so7):
    wid = lax.axis_index("s") * NC + lax.axis_index("c")
    base = wid * ROWS_W
    bufs = (b0, b1, b2, b3, b4, b5, b6, b7)
    sem_i = (si0, si1, si2, si3, si4, si5, si6, si7)
    sem_o = (so0, so1, so2, so3, so4, so5, so6, so7)

    pltpu.sync_copy(label_hbm, idx_v)
    c_s = pltpu.async_copy(scale_hbm.at[idx_v], srow, sem_g)
    c_o = pltpu.async_copy(offset_hbm.at[idx_v], orow, sem_g)

    in_cp = [pltpu.async_copy(
        x_hbm.at[pl.ds(base + g * ROWS_CH, ROWS_CH)], bufs[g], sem_i[g])
        for g in range(NCH)]

    c_s.wait()
    c_o.wait()
    svals = [srow[0, pl.ds(j * LANES, LANES)] for j in range(COLS)]
    ovals = [orow[0, pl.ds(j * LANES, LANES)] for j in range(COLS)]

    out_cp = [None] * NCH
    for g in range(NCH):
        in_cp[g].wait()
        buf = bufs[g]

        def row(r, carry):
            for j in range(COLS):
                sl = pl.ds(j * LANES, LANES)
                buf[r, sl] = svals[j] * buf[r, sl] + ovals[j]
            return carry

        lax.fori_loop(0, ROWS_CH, row, 0)

        out_cp[g] = pltpu.async_copy(
            buf, out_hbm.at[pl.ds(base + g * ROWS_CH, ROWS_CH)], sem_o[g])

    for g in range(NCH):
        out_cp[g].wait()


def kernel(inputs, scale_table, offset_table, label):
    label_arr = jnp.asarray(label, dtype=jnp.int32).reshape((1,))
    mesh = plsc.VectorSubcoreMesh(core_axis_name="c", subcore_axis_name="s")
    return pl.kernel(
        _sc_body,
        out_type=jax.ShapeDtypeStruct((BATCH, D), jnp.float32),
        mesh=mesh,
        scratch_types=[
            pltpu.VMEM((1,), jnp.int32),
            pltpu.VMEM((1, D), jnp.float32),
            pltpu.VMEM((1, D), jnp.float32),
            pltpu.VMEM((ROWS_CH, D), jnp.float32),
            pltpu.VMEM((ROWS_CH, D), jnp.float32),
            pltpu.VMEM((ROWS_CH, D), jnp.float32),
            pltpu.VMEM((ROWS_CH, D), jnp.float32),
            pltpu.VMEM((ROWS_CH, D), jnp.float32),
            pltpu.VMEM((ROWS_CH, D), jnp.float32),
            pltpu.VMEM((ROWS_CH, D), jnp.float32),
            pltpu.VMEM((ROWS_CH, D), jnp.float32),
        ] + [pltpu.SemaphoreType.DMA] * 17,
    )(label_arr, inputs, scale_table, offset_table)

# --- scband reference (transcript-rebuilt; emitter-appended) ---
"""Pipeline reference for scband-sep-bias-18932215841523 (READ-ONLY COPY).

The authoritative reference and input builder live on the scoring server;
editing this copy changes nothing except your own understanding.
"""

import jax, jax.numpy as jnp
import numpy as np

INPUT_DIMS = 1000
BATCH = 16384
D = 128

def setup_inputs(seed: int = 0) -> dict:
    key = jax.random.key(seed)
    k1 = jax.random.fold_in(key, 1)
    inputs = jax.random.normal(k1, (BATCH, D), dtype=jnp.float32)
    # learned parameters per Keras Embedding initializers: scale='ones', offset='zeros'
    scale_table = jnp.ones((INPUT_DIMS, D), dtype=jnp.float32)
    offset_table = jnp.zeros((INPUT_DIMS, D), dtype=jnp.float32)
    label = 7
    return {"inputs": inputs, "scale_table": scale_table, "offset_table": offset_table, "label": label}

def reference(inputs, scale_table, offset_table, label):
    # Embedding lookup of a scalar label -> vector [D], then affine modulation of inputs
    s = jnp.take(scale_table, label, axis=0)
    o = jnp.take(offset_table, label, axis=0)
    return s * inputs + o

if __name__ == "__main__":
    import jax
    _d = setup_inputs()
    print(jax.jit(kernel)(*tuple(_d.values())))

</pallas_src>

<mosaic_0001>
#map = affine_map<(d0, d1) -> (0)>
#map1 = affine_map<(d0, d1) -> (0, 0)>
module attributes {stable_mosaic.version = 14 : i64} {
  func.func @_sc_body(%arg0: i32, %arg1: i32, %arg2: memref<1xi32, #tpu.memory_space<hbm>>, %arg3: memref<16384x128xf32, #tpu.memory_space<hbm>>, %arg4: memref<1000x128xf32, #tpu.memory_space<hbm>>, %arg5: memref<1000x128xf32, #tpu.memory_space<hbm>>, %arg6: memref<16384x128xf32, #tpu.memory_space<hbm>>, %arg7: memref<1xi32, #tpu.memory_space<vmem>>, %arg8: memref<1x128xf32, #tpu.memory_space<vmem>>, %arg9: memref<1x128xf32, #tpu.memory_space<vmem>>, %arg10: memref<64x128xf32, #tpu.memory_space<vmem>>, %arg11: memref<64x128xf32, #tpu.memory_space<vmem>>, %arg12: memref<64x128xf32, #tpu.memory_space<vmem>>, %arg13: memref<64x128xf32, #tpu.memory_space<vmem>>, %arg14: memref<64x128xf32, #tpu.memory_space<vmem>>, %arg15: memref<64x128xf32, #tpu.memory_space<vmem>>, %arg16: memref<64x128xf32, #tpu.memory_space<vmem>>, %arg17: memref<64x128xf32, #tpu.memory_space<vmem>>, %arg18: memref<!tpu.dma_semaphore, #tpu.memory_space<semaphore_mem>>, %arg19: memref<!tpu.dma_semaphore, #tpu.memory_space<semaphore_mem>>, %arg20: memref<!tpu.dma_semaphore, #tpu.memory_space<semaphore_mem>>, %arg21: memref<!tpu.dma_semaphore, #tpu.memory_space<semaphore_mem>>, %arg22: memref<!tpu.dma_semaphore, #tpu.memory_space<semaphore_mem>>, %arg23: memref<!tpu.dma_semaphore, #tpu.memory_space<semaphore_mem>>, %arg24: memref<!tpu.dma_semaphore, #tpu.memory_space<semaphore_mem>>, %arg25: memref<!tpu.dma_semaphore, #tpu.memory_space<semaphore_mem>>, %arg26: memref<!tpu.dma_semaphore, #tpu.memory_space<semaphore_mem>>, %arg27: memref<!tpu.dma_semaphore, #tpu.memory_space<semaphore_mem>>, %arg28: memref<!tpu.dma_semaphore, #tpu.memory_space<semaphore_mem>>, %arg29: memref<!tpu.dma_semaphore, #tpu.memory_space<semaphore_mem>>, %arg30: memref<!tpu.dma_semaphore, #tpu.memory_space<semaphore_mem>>, %arg31: memref<!tpu.dma_semaphore, #tpu.memory_space<semaphore_mem>>, %arg32: memref<!tpu.dma_semaphore, #tpu.memory_space<semaphore_mem>>, %arg33: memref<!tpu.dma_semaphore, #tpu.memory_space<semaphore_mem>>, %arg34: memref<!tpu.dma_semaphore, #tpu.memory_space<semaphore_mem>>) attributes {dimension_semantics = [#tpu.dimension_semantics<core_parallel>, #tpu.dimension_semantics<subcore_parallel>], iteration_bounds = array<i64: 2, 16>, scalar_prefetch = 0 : i64, scratch_operands = 28 : i64, tpu.core_type = #tpu.core_type<sc_vector_subcore>, window_params = [{transform_indices = #map}, {transform_indices = #map1}, {transform_indices = #map1}, {transform_indices = #map1}, {transform_indices = #map1}]} {
    %mul3A = arith.constant 2 : i32
    %mul3A_0 = arith.muli %arg1, %mul3A : i32
    %add3A = arith.addi %mul3A_0, %arg0 : i32
    %mul3A_1 = arith.constant 512 : i32
    %mul3A_2 = arith.muli %add3A, %mul3A_1 : i32
    "tpu.region"() ({
      %run_scoped3A = tpu.sem_alloc : memref<!tpu.dma_semaphore, #tpu.memory_space<semaphore_mem>>
      tpu.enqueue_dma source(%arg2 : memref<1xi32, #tpu.memory_space<hbm>>) target(%arg7 : memref<1xi32, #tpu.memory_space<vmem>>) target_semaphore(%run_scoped3A : memref<!tpu.dma_semaphore, #tpu.memory_space<semaphore_mem>>)
      tpu.wait_dma2 semaphore(%run_scoped3A : memref<!tpu.dma_semaphore, #tpu.memory_space<semaphore_mem>>) src(%arg2 : memref<1xi32, #tpu.memory_space<hbm>>) dst(%arg7 : memref<1xi32, #tpu.memory_space<vmem>>)
      tpu.yield
    }) : () -> ()
    %dma_start3A = arith.constant 0 : i32
    %dma_start3A_3 = arith.constant 0 : i32
    %dma_start3A_4 = tpu.memref_slice %arg4[%dma_start3A, %dma_start3A_3] : memref<1000x128xf32, #tpu.memory_space<hbm>> -> memref<1000x128xf32, #tpu.memory_space<hbm>>
    tpu.enqueue_indirect_dma source(%dma_start3A_4 : memref<1000x128xf32, #tpu.memory_space<hbm>>) target(%arg8 : memref<1x128xf32, #tpu.memory_space<vmem>>) offsets(%arg7 : memref<1xi32, #tpu.memory_space<vmem>>) semaphore(%arg18 : memref<!tpu.dma_semaphore, #tpu.memory_space<semaphore_mem>>)
    %dma_start3A_5 = arith.constant 0 : i32
    %dma_start3A_6 = arith.constant 0 : i32
    %dma_start3A_7 = tpu.memref_slice %arg5[%dma_start3A_5, %dma_start3A_6] : memref<1000x128xf32, #tpu.memory_space<hbm>> -> memref<1000x128xf32, #tpu.memory_space<hbm>>
    tpu.enqueue_indirect_dma source(%dma_start3A_7 : memref<1000x128xf32, #tpu.memory_space<hbm>>) target(%arg9 : memref<1x128xf32, #tpu.memory_space<vmem>>) offsets(%arg7 : memref<1xi32, #tpu.memory_space<vmem>>) semaphore(%arg18 : memref<!tpu.dma_semaphore, #tpu.memory_space<semaphore_mem>>)
    %add3A_8 = arith.constant 0 : i32
    %add3A_9 = arith.addi %mul3A_2, %add3A_8 : i32
    %dma_start3A_10 = arith.constant 0 : i32
    %dma_start3A_11 = tpu.memref_slice %arg3[%add3A_9, %dma_start3A_10] : memref<16384x128xf32, #tpu.memory_space<hbm>> -> memref<64x128xf32, #tpu.memory_space<hbm>>
    %dma_start3A_12 = arith.constant 0 : i32
    %dma_start3A_13 = tpu.memref_slice %arg3[%add3A_9, %dma_start3A_12] : memref<16384x128xf32, #tpu.memory_space<hbm>> -> memref<64x128xf32, #tpu.memory_space<hbm>>
    tpu.enqueue_dma source(%dma_start3A_13 : memref<64x128xf32, #tpu.memory_space<hbm>>) target(%arg10 : memref<64x128xf32, #tpu.memory_space<vmem>>) target_semaphore(%arg19 : memref<!tpu.dma_semaphore, #tpu.memory_space<semaphore_mem>>)
    %add3A_14 = arith.constant 64 : i32
    %add3A_15 = arith.addi %mul3A_2, %add3A_14 : i32
    %dma_start3A_16 = arith.constant 0 : i32
    %dma_start3A_17 = tpu.memref_slice %arg3[%add3A_15, %dma_start3A_16] : memref<16384x128xf32, #tpu.memory_space<hbm>> -> memref<64x128xf32, #tpu.memory_space<hbm>>
    %dma_start3A_18 = arith.constant 0 : i32
    %dma_start3A_19 = tpu.memref_slice %arg3[%add3A_15, %dma_start3A_18] : memref<16384x128xf32, #tpu.memory_space<hbm>> -> memref<64x128xf32, #tpu.memory_space<hbm>>
    tpu.enqueue_dma source(%dma_start3A_19 : memref<64x128xf32, #tpu.memory_space<hbm>>) target(%arg11 : memref<64x128xf32, #tpu.memory_space<vmem>>) target_semaphore(%arg20 : memref<!tpu.dma_semaphore, #tpu.memory_space<semaphore_mem>>)
    %add3A_20 = arith.constant 128 : i32
    %add3A_21 = arith.addi %mul3A_2, %add3A_20 : i32
    %dma_start3A_22 = arith.constant 0 : i32
    %dma_start3A_23 = tpu.memref_slice %arg3[%add3A_21, %dma_start3A_22] : memref<16384x128xf32, #tpu.memory_space<hbm>> -> memref<64x128xf32, #tpu.memory_space<hbm>>
    %dma_start3A_24 = arith.constant 0 : i32
    %dma_start3A_25 = tpu.memref_slice %arg3[%add3A_21, %dma_start3A_24] : memref<16384x128xf32, #tpu.memory_space<hbm>> -> memref<64x128xf32, #tpu.memory_space<hbm>>
    tpu.enqueue_dma source(%dma_start3A_25 : memref<64x128xf32, #tpu.memory_space<hbm>>) target(%arg12 : memref<64x128xf32, #tpu.memory_space<vmem>>) target_semaphore(%arg21 : memref<!tpu.dma_semaphore, #tpu.memory_space<semaphore_mem>>)
    %add3A_26 = arith.constant 192 : i32
    %add3A_27 = arith.addi %mul3A_2, %add3A_26 : i32
    %dma_start3A_28 = arith.constant 0 : i32
    %dma_start3A_29 = tpu.memref_slice %arg3[%add3A_27, %dma_start3A_28] : memref<16384x128xf32, #tpu.memory_space<hbm>> -> memref<64x128xf32, #tpu.memory_space<hbm>>
    %dma_start3A_30 = arith.constant 0 : i32
    %dma_start3A_31 = tpu.memref_slice %arg3[%add3A_27, %dma_start3A_30] : memref<16384x128xf32, #tpu.memory_space<hbm>> -> memref<64x128xf32, #tpu.memory_space<hbm>>
    tpu.enqueue_dma source(%dma_start3A_31 : memref<64x128xf32, #tpu.memory_space<hbm>>) target(%arg13 : memref<64x128xf32, #tpu.memory_space<vmem>>) target_semaphore(%arg22 : memref<!tpu.dma_semaphore, #tpu.memory_space<semaphore_mem>>)
    %add3A_32 = arith.constant 256 : i32
    %add3A_33 = arith.addi %mul3A_2, %add3A_32 : i32
    %dma_start3A_34 = arith.constant 0 : i32
    %dma_start3A_35 = tpu.memref_slice %arg3[%add3A_33, %dma_start3A_34] : memref<16384x128xf32, #tpu.memory_space<hbm>> -> memref<64x128xf32, #tpu.memory_space<hbm>>
    %dma_start3A_36 = arith.constant 0 : i32
    %dma_start3A_37 = tpu.memref_slice %arg3[%add3A_33, %dma_start3A_36] : memref<16384x128xf32, #tpu.memory_space<hbm>> -> memref<64x128xf32, #tpu.memory_space<hbm>>
    tpu.enqueue_dma source(%dma_start3A_37 : memref<64x128xf32, #tpu.memory_space<hbm>>) target(%arg14 : memref<64x128xf32, #tpu.memory_space<vmem>>) target_semaphore(%arg23 : memref<!tpu.dma_semaphore, #tpu.memory_space<semaphore_mem>>)
    %add3A_38 = arith.constant 320 : i32
    %add3A_39 = arith.addi %mul3A_2, %add3A_38 : i32
    %dma_start3A_40 = arith.constant 0 : i32
    %dma_start3A_41 = tpu.memref_slice %arg3[%add3A_39, %dma_start3A_40] : memref<16384x128xf32, #tpu.memory_space<hbm>> -> memref<64x128xf32, #tpu.memory_space<hbm>>
    %dma_start3A_42 = arith.constant 0 : i32
    %dma_start3A_43 = tpu.memref_slice %arg3[%add3A_39, %dma_start3A_42] : memref<16384x128xf32, #tpu.memory_space<hbm>> -> memref<64x128xf32, #tpu.memory_space<hbm>>
    tpu.enqueue_dma source(%dma_start3A_43 : memref<64x128xf32, #tpu.memory_space<hbm>>) target(%arg15 : memref<64x128xf32, #tpu.memory_space<vmem>>) target_semaphore(%arg24 : memref<!tpu.dma_semaphore, #tpu.memory_space<semaphore_mem>>)
    %add3A_44 = arith.constant 384 : i32
    %add3A_45 = arith.addi %mul3A_2, %add3A_44 : i32
    %dma_start3A_46 = arith.constant 0 : i32
    %dma_start3A_47 = tpu.memref_slice %arg3[%add3A_45, %dma_start3A_46] : memref<16384x128xf32, #tpu.memory_space<hbm>> -> memref<64x128xf32, #tpu.memory_space<hbm>>
    %dma_start3A_48 = arith.constant 0 : i32
    %dma_start3A_49 = tpu.memref_slice %arg3[%add3A_45, %dma_start3A_48] : memref<16384x128xf32, #tpu.memory_space<hbm>> -> memref<64x128xf32, #tpu.memory_space<hbm>>
    tpu.enqueue_dma source(%dma_start3A_49 : memref<64x128xf32, #tpu.memory_space<hbm>>) target(%arg16 : memref<64x128xf32, #tpu.memory_space<vmem>>) target_semaphore(%arg25 : memref<!tpu.dma_semaphore, #tpu.memory_space<semaphore_mem>>)
    %add3A_50 = arith.constant 448 : i32
    %add3A_51 = arith.addi %mul3A_2, %add3A_50 : i32
    %dma_start3A_52 = arith.constant 0 : i32
    %dma_start3A_53 = tpu.memref_slice %arg3[%add3A_51, %dma_start3A_52] : memref<16384x128xf32, #tpu.memory_space<hbm>> -> memref<64x128xf32, #tpu.memory_space<hbm>>
    %dma_start3A_54 = arith.constant 0 : i32
    %dma_start3A_55 = tpu.memref_slice %arg3[%add3A_51, %dma_start3A_54] : memref<16384x128xf32, #tpu.memory_space<hbm>> -> memref<64x128xf32, #tpu.memory_space<hbm>>
    tpu.enqueue_dma source(%dma_start3A_55 : memref<64x128xf32, #tpu.memory_space<hbm>>) target(%arg17 : memref<64x128xf32, #tpu.memory_space<vmem>>) target_semaphore(%arg26 : memref<!tpu.dma_semaphore, #tpu.memory_space<semaphore_mem>>)
    %dma_wait3A = arith.constant 0 : i32
    %dma_wait3A_56 = arith.constant 0 : i32
    %dma_wait3A_57 = tpu.memref_slice %arg4[%dma_wait3A, %dma_wait3A_56] : memref<1000x128xf32, #tpu.memory_space<hbm>> -> memref<1000x128xf32, #tpu.memory_space<hbm>>
    tpu.wait_indirect_dma semaphore(%arg18 : memref<!tpu.dma_semaphore, #tpu.memory_space<semaphore_mem>>) src(%dma_wait3A_57 : memref<1000x128xf32, #tpu.memory_space<hbm>>) dst(%arg8 : memref<1x128xf32, #tpu.memory_space<vmem>>)
    %dma_wait3A_58 = arith.constant 0 : i32
    %dma_wait3A_59 = arith.constant 0 : i32
    %dma_wait3A_60 = tpu.memref_slice %arg5[%dma_wait3A_58, %dma_wait3A_59] : memref<1000x128xf32, #tpu.memory_space<hbm>> -> memref<1000x128xf32, #tpu.memory_space<hbm>>
    tpu.wait_indirect_dma semaphore(%arg18 : memref<!tpu.dma_semaphore, #tpu.memory_space<semaphore_mem>>) src(%dma_wait3A_60 : memref<1000x128xf32, #tpu.memory_space<hbm>>) dst(%arg9 : memref<1x128xf32, #tpu.memory_space<vmem>>)
    %get3A = arith.constant 0 : i32
    %get3A_61 = arith.index_cast %get3A : i32 to index
    %get3A_62 = arith.constant 0 : index
    %get3A_63 = tpu.vector_load %arg8[%get3A_61, %get3A_62] {strides = array<i32>} : memref<1x128xf32, #tpu.memory_space<vmem>>, vector<1x16xf32>,
    %get3A_64 = vector.shape_cast %get3A_63 : vector<1x16xf32> to vector<16xf32>
    %get3A_65 = arith.constant 0 : i32
    %get3A_66 = arith.index_cast %get3A_65 : i32 to index
    %get3A_67 = arith.constant 16 : index
    %get3A_68 = tpu.vector_load %arg8[%get3A_66, %get3A_67] {strides = array<i32>} : memref<1x128xf32, #tpu.memory_space<vmem>>, vector<1x16xf32>,
    %get3A_69 = vector.shape_cast %get3A_68 : vector<1x16xf32> to vector<16xf32>
    %get3A_70 = arith.constant 0 : i32
    %get3A_71 = arith.index_cast %get3A_70 : i32 to index
    %get3A_72 = arith.constant 32 : index
    %get3A_73 = tpu.vector_load %arg8[%get3A_71, %get3A_72] {strides = array<i32>} : memref<1x128xf32, #tpu.memory_space<vmem>>, vector<1x16xf32>,
    %get3A_74 = vector.shape_cast %get3A_73 : vector<1x16xf32> to vector<16xf32>
    %get3A_75 = arith.constant 0 : i32
    %get3A_76 = arith.index_cast %get3A_75 : i32 to index
    %get3A_77 = arith.constant 48 : index
    %get3A_78 = tpu.vector_load %arg8[%get3A_76, %get3A_77] {strides = array<i32>} : memref<1x128xf32, #tpu.memory_space<vmem>>, vector<1x16xf32>,
    %get3A_79 = vector.shape_cast %get3A_78 : vector<1x16xf32> to vector<16xf32>
    %get3A_80 = arith.constant 0 : i32
    %get3A_81 = arith.index_cast %get3A_80 : i32 to index
    %get3A_82 = arith.constant 64 : index
    %get3A_83 = tpu.vector_load %arg8[%get3A_81, %get3A_82] {strides = array<i32>} : memref<1x128xf32, #tpu.memory_space<vmem>>, vector<1x16xf32>,
    %get3A_84 = vector.shape_cast %get3A_83 : vector<1x16xf32> to vector<16xf32>
    %get3A_85 = arith.constant 0 : i32
    %get3A_86 = arith.index_cast %get3A_85 : i32 to index
    %get3A_87 = arith.constant 80 : index
    %get3A_88 = tpu.vector_load %arg8[%get3A_86, %get3A_87] {strides = array<i32>} : memref<1x128xf32, #tpu.memory_space<vmem>>, vector<1x16xf32>,
    %get3A_89 = vector.shape_cast %get3A_88 : vector<1x16xf32> to vector<16xf32>
    %get3A_90 = arith.constant 0 : i32
    %get3A_91 = arith.index_cast %get3A_90 : i32 to index
    %get3A_92 = arith.constant 96 : index
    %get3A_93 = tpu.vector_load %arg8[%get3A_91, %get3A_92] {strides = array<i32>} : memref<1x128xf32, #tpu.memory_space<vmem>>, vector<1x16xf32>,
    %get3A_94 = vector.shape_cast %get3A_93 : vector<1x16xf32> to vector<16xf32>
    %get3A_95 = arith.constant 0 : i32
    %get3A_96 = arith.index_cast %get3A_95 : i32 to index
    %get3A_97 = arith.constant 112 : index
    %get3A_98 = tpu.vector_load %arg8[%get3A_96, %get3A_97] {strides = array<i32>} : memref<1x128xf32, #tpu.memory_space<vmem>>, vector<1x16xf32>,
    %get3A_99 = vector.shape_cast %get3A_98 : vector<1x16xf32> to vector<16xf32>
    %get3A_100 = arith.constant 0 : i32
    %get3A_101 = arith.index_cast %get3A_100 : i32 to index
    %get3A_102 = arith.constant 0 : index
    %get3A_103 = tpu.vector_load %arg9[%get3A_101, %get3A_102] {strides = array<i32>} : memref<1x128xf32, #tpu.memory_space<vmem>>, vector<1x16xf32>,
    %get3A_104 = vector.shape_cast %get3A_103 : vector<1x16xf32> to vector<16xf32>
    %get3A_105 = arith.constant 0 : i32
    %get3A_106 = arith.index_cast %get3A_105 : i32 to index
    %get3A_107 = arith.constant 16 : index
    %get3A_108 = tpu.vector_load %arg9[%get3A_106, %get3A_107] {strides = array<i32>} : memref<1x128xf32, #tpu.memory_space<vmem>>, vector<1x16xf32>,
    %get3A_109 = vector.shape_cast %get3A_108 : vector<1x16xf32> to vector<16xf32>
    %get3A_110 = arith.constant 0 : i32
    %get3A_111 = arith.index_cast %get3A_110 : i32 to index
    %get3A_112 = arith.constant 32 : index
    %get3A_113 = tpu.vector_load %arg9[%get3A_111, %get3A_112] {strides = array<i32>} : memref<1x128xf32, #tpu.memory_space<vmem>>, vector<1x16xf32>,
    %get3A_114 = vector.shape_cast %get3A_113 : vector<1x16xf32> to vector<16xf32>
    %get3A_115 = arith.constant 0 : i32
    %get3A_116 = arith.index_cast %get3A_115 : i32 to index
    %get3A_117 = arith.constant 48 : index
    %get3A_118 = tpu.vector_load %arg9[%get3A_116, %get3A_117] {strides = array<i32>} : memref<1x128xf32, #tpu.memory_space<vmem>>, vector<1x16xf32>,
    %get3A_119 = vector.shape_cast %get3A_118 : vector<1x16xf32> to vector<16xf32>
    %get3A_120 = arith.constant 0 : i32
    %get3A_121 = arith.index_cast %get3A_120 : i32 to index
    %get3A_122 = arith.constant 64 : index
    %get3A_123 = tpu.vector_load %arg9[%get3A_121, %get3A_122] {strides = array<i32>} : memref<1x128xf32, #tpu.memory_space<vmem>>, vector<1x16xf32>,
    %get3A_124 = vector.shape_cast %get3A_123 : vector<1x16xf32> to vector<16xf32>
    %get3A_125 = arith.constant 0 : i32
    %get3A_126 = arith.index_cast %get3A_125 : i32 to index
    %get3A_127 = arith.constant 80 : index
    %get3A_128 = tpu.vector_load %arg9[%get3A_126, %get3A_127] {strides = array<i32>} : memref<1x128xf32, #tpu.memory_space<vmem>>, vector<1x16xf32>,
    %get3A_129 = vector.shape_cast %get3A_128 : vector<1x16xf32> to vector<16xf32>
    %get3A_130 = arith.constant 0 : i32
    %get3A_131 = arith.index_cast %get3A_130 : i32 to index
    %get3A_132 = arith.constant 96 : index
    %get3A_133 = tpu.vector_load %arg9[%get3A_131, %get3A_132] {strides = array<i32>} : memref<1x128xf32, #tpu.memory_space<vmem>>, vector<1x16xf32>,
    %get3A_134 = vector.shape_cast %get3A_133 : vector<1x16xf32> to vector<16xf32>
    %get3A_135 = arith.constant 0 : i32
    %get3A_136 = arith.index_cast %get3A_135 : i32 to index
    %get3A_137 = arith.constant 112 : index
    %get3A_138 = tpu.vector_load %arg9[%get3A_136, %get3A_137] {strides = array<i32>} : memref<1x128xf32, #tpu.memory_space<vmem>>, vector<1x16xf32>,
    %get3A_139 = vector.shape_cast %get3A_138 : vector<1x16xf32> to vector<16xf32>
    %dma_wait3A_140 = arith.constant 0 : i32
    %dma_wait3A_141 = tpu.memref_slice %arg3[%add3A_9, %dma_wait3A_140] : memref<16384x128xf32, #tpu.memory_space<hbm>> -> memref<64x128xf32, #tpu.memory_space<hbm>>
    %dma_wait3A_142 = arith.constant 0 : i32
    %dma_wait3A_143 = tpu.memref_slice %arg3[%add3A_9, %dma_wait3A_142] : memref<16384x128xf32, #tpu.memory_space<hbm>> -> memref<64x128xf32, #tpu.memory_space<hbm>>
    tpu.wait_dma2 semaphore(%arg19 : memref<!tpu.dma_semaphore, #tpu.memory_space<semaphore_mem>>) src(%dma_wait3A_143 : memref<64x128xf32, #tpu.memory_space<hbm>>) dst(%arg10 : memref<64x128xf32, #tpu.memory_space<vmem>>)
    %scan3A = arith.constant 0 : i32
    %scan3A_144 = arith.constant 0 : i32
    %scan3A_145 = arith.constant 64 : i32
    %scan3A_146 = arith.addi %scan3A_144, %scan3A_145 : i32
    %scan3A_147 = arith.constant 1 : i32
    scf.for %scan3A_299 = %scan3A_144 to %scan3A_146 step %scan3A_147  : i32 {
      %get3A_300 = arith.index_cast %scan3A_299 : i32 to index
      %get3A_301 = arith.constant 0 : index
      %get3A_302 = tpu.vector_load %arg10[%get3A_300, %get3A_301] {strides = array<i32>} : memref<64x128xf32, #tpu.memory_space<vmem>>, vector<1x16xf32>,
      %get3A_303 = vector.shape_cast %get3A_302 : vector<1x16xf32> to vector<16xf32>
      %mul3A_304 = arith.mulf %get3A_64, %get3A_303 : vector<16xf32>
      %add3A_305 = arith.addf %mul3A_304, %get3A_104 : vector<16xf32>
      %swap3A = arith.index_cast %scan3A_299 : i32 to index
      %swap3A_306 = arith.constant 0 : index
      %swap3A_307 = tpu.vector_load %arg10[%swap3A, %swap3A_306] {strides = array<i32>} : memref<64x128xf32, #tpu.memory_space<vmem>>, vector<1x16xf32>,
      %swap3A_308 = vector.shape_cast %swap3A_307 : vector<1x16xf32> to vector<16xf32>
      %swap3A_309 = vector.shape_cast %add3A_305 : vector<16xf32> to vector<1x16xf32>
      tpu.vector_store %arg10[%swap3A, %swap3A_306], %swap3A_309 {strides = array<i32>} : memref<64x128xf32, #tpu.memory_space<vmem>>, vector<1x16xf32>,
      %get3A_310 = arith.index_cast %scan3A_299 : i32 to index
      %get3A_311 = arith.constant 16 : index
      %get3A_312 = tpu.vector_load %arg10[%get3A_310, %get3A_311] {strides = array<i32>} : memref<64x128xf32, #tpu.memory_space<vmem>>, vector<1x16xf32>,
      %get3A_313 = vector.shape_cast %get3A_312 : vector<1x16xf32> to vector<16xf32>
      %mul3A_314 = arith.mulf %get3A_69, %get3A_313 : vector<16xf32>
      %add3A_315 = arith.addf %mul3A_314, %get3A_109 : vector<16xf32>
      %swap3A_316 = arith.index_cast %scan3A_299 : i32 to index
      %swap3A_317 = arith.constant 16 : index
      %swap3A_318 = tpu.vector_load %arg10[%swap3A_316, %swap3A_317] {strides = array<i32>} : memref<64x128xf32, #tpu.memory_space<vmem>>, vector<1x16xf32>,
      %swap3A_319 = vector.shape_cast %swap3A_318 : vector<1x16xf32> to vector<16xf32>
      %swap3A_320 = vector.shape_cast %add3A_315 : vector<16xf32> to vector<1x16xf32>
      tpu.vector_store %arg10[%swap3A_316, %swap3A_317], %swap3A_320 {strides = array<i32>} : memref<64x128xf32, #tpu.memory_space<vmem>>, vector<1x16xf32>,
      %get3A_321 = arith.index_cast %scan3A_299 : i32 to index
      %get3A_322 = arith.constant 32 : index
      %get3A_323 = tpu.vector_load %arg10[%get3A_321, %get3A_322] {strides = array<i32>} : memref<64x128xf32, #tpu.memory_space<vmem>>, vector<1x16xf32>,
      %get3A_324 = vector.shape_cast %get3A_323 : vector<1x16xf32> to vector<16xf32>
      %mul3A_325 = arith.mulf %get3A_74, %get3A_324 : vector<16xf32>
      %add3A_326 = arith.addf %mul3A_325, %get3A_114 : vector<16xf32>
      %swap3A_327 = arith.index_cast %scan3A_299 : i32 to index
      %swap3A_328 = arith.constant 32 : index
      %swap3A_329 = tpu.vector_load %arg10[%swap3A_327, %swap3A_328] {strides = array<i32>} : memref<64x128xf32, #tpu.memory_space<vmem>>, vector<1x16xf32>,
      %swap3A_330 = vector.shape_cast %swap3A_329 : vector<1x16xf32> to vector<16xf32>
      %swap3A_331 = vector.shape_cast %add3A_326 : vector<16xf32> to vector<1x16xf32>
      tpu.vector_store %arg10[%swap3A_327, %swap3A_328], %swap3A_331 {strides = array<i32>} : memref<64x128xf32, #tpu.memory_space<vmem>>, vector<1x16xf32>,
      %get3A_332 = arith.index_cast %scan3A_299 : i32 to index
      %get3A_333 = arith.constant 48 : index
      %get3A_334 = tpu.vector_load %arg10[%get3A_332, %get3A_333] {strides = array<i32>} : memref<64x128xf32, #tpu.memory_space<vmem>>, vector<1x16xf32>,
      %get3A_335 = vector.shape_cast %get3A_334 : vector<1x16xf32> to vector<16xf32>
      %mul3A_336 = arith.mulf %get3A_79, %get3A_335 : vector<16xf32>
      %add3A_337 = arith.addf %mul3A_336, %get3A_119 : vector<16xf32>
      %swap3A_338 = arith.index_cast %scan3A_299 : i32 to index
      %swap3A_339 = arith.constant 48 : index
      %swap3A_340 = tpu.vector_load %arg10[%swap3A_338, %swap3A_339] {strides = array<i32>} : memref<64x128xf32, #tpu.memory_space<vmem>>, vector<1x16xf32>,
      %swap3A_341 = vector.shape_cast %swap3A_340 : vector<1x16xf32> to vector<16xf32>
      %swap3A_342 = vector.shape_cast %add3A_337 : vector<16xf32> to vector<1x16xf32>
      tpu.vector_store %arg10[%swap3A_338, %swap3A_339], %swap3A_342 {strides = array<i32>} : memref<64x128xf32, #tpu.memory_space<vmem>>, vector<1x16xf32>,
      %get3A_343 = arith.index_cast %scan3A_299 : i32 to index
      %get3A_344 = arith.constant 64 : index
      %get3A_345 = tpu.vector_load %arg10[%get3A_343, %get3A_344] {strides = array<i32>} : memref<64x128xf32, #tpu.memory_space<vmem>>, vector<1x16xf32>,
      %get3A_346 = vector.shape_cast %get3A_345 : vector<1x16xf32> to vector<16xf32>
      %mul3A_347 = arith.mulf %get3A_84, %get3A_346 : vector<16xf32>
      %add3A_348 = arith.addf %mul3A_347, %get3A_124 : vector<16xf32>
      %swap3A_349 = arith.index_cast %scan3A_299 : i32 to index
      %swap3A_350 = arith.constant 64 : index
      %swap3A_351 = tpu.vector_load %arg10[%swap3A_349, %swap3A_350] {strides = array<i32>} : memref<64x128xf32, #tpu.memory_space<vmem>>, vector<1x16xf32>,
      %swap3A_352 = vector.shape_cast %swap3A_351 : vector<1x16xf32> to vector<16xf32>
      %swap3A_353 = vector.shape_cast %add3A_348 : vector<16xf32> to vector<1x16xf32>
      tpu.vector_store %arg10[%swap3A_349, %swap3A_350], %swap3A_353 {strides = array<i32>} : memref<64x128xf32, #tpu.memory_space<vmem>>, vector<1x16xf32>,
      %get3A_354 = arith.index_cast %scan3A_299 : i32 to index
      %get3A_355 = arith.constant 80 : index
      %get3A_356 = tpu.vector_load %arg10[%get3A_354, %get3A_355] {strides = array<i32>} : memref<64x128xf32, #tpu.memory_space<vmem>>, vector<1x16xf32>,
      %get3A_357 = vector.shape_cast %get3A_356 : vector<1x16xf32> to vector<16xf32>
      %mul3A_358 = arith.mulf %get3A_89, %get3A_357 : vector<16xf32>
      %add3A_359 = arith.addf %mul3A_358, %get3A_129 : vector<16xf32>
      %swap3A_360 = arith.index_cast %scan3A_299 : i32 to index
      %swap3A_361 = arith.constant 80 : index
      %swap3A_362 = tpu.vector_load %arg10[%swap3A_360, %swap3A_361] {strides = array<i32>} : memref<64x128xf32, #tpu.memory_space<vmem>>, vector<1x16xf32>,
      %swap3A_363 = vector.shape_cast %swap3A_362 : vector<1x16xf32> to vector<16xf32>
      %swap3A_364 = vector.shape_cast %add3A_359 : vector<16xf32> to vector<1x16xf32>
      tpu.vector_store %arg10[%swap3A_360, %swap3A_361], %swap3A_364 {strides = array<i32>} : memref<64x128xf32, #tpu.memory_space<vmem>>, vector<1x16xf32>,
      %get3A_365 = arith.index_cast %scan3A_299 : i32 to index
      %get3A_366 = arith.constant 96 : index
      %get3A_367 = tpu.vector_load %arg10[%get3A_365, %get3A_366] {strides = array<i32>} : memref<64x128xf32, #tpu.memory_space<vmem>>, vector<1x16xf32>,
      %get3A_368 = vector.shape_cast %get3A_367 : vector<1x16xf32> to vector<16xf32>
      %mul3A_369 = arith.mulf %get3A_94, %get3A_368 : vector<16xf32>
      %add3A_370 = arith.addf %mul3A_369, %get3A_134 : vector<16xf32>
      %swap3A_371 = arith.index_cast %scan3A_299 : i32 to index
      %swap3A_372 = arith.constant 96 : index
      %swap3A_373 = tpu.vector_load %arg10[%swap3A_371, %swap3A_372] {strides = array<i32>} : memref<64x128xf32, #tpu.memory_space<vmem>>, vector<1x16xf32>,
      %swap3A_374 = vector.shape_cast %swap3A_373 : vector<1x16xf32> to vector<16xf32>
      %swap3A_375 = vector.shape_cast %add3A_370 : vector<16xf32> to vector<1x16xf32>
      tpu.vector_store %arg10[%swap3A_371, %swap3A_372], %swap3A_375 {strides = array<i32>} : memref<64x128xf32, #tpu.memory_space<vmem>>, vector<1x16xf32>,
      %get3A_376 = arith.index_cast %scan3A_299 : i32 to index
      %get3A_377 = arith.constant 112 : index
      %get3A_378 = tpu.vector_load %arg10[%get3A_376, %get3A_377] {strides = array<i32>} : memref<64x128xf32, #tpu.memory_space<vmem>>, vector<1x16xf32>,
      %get3A_379 = vector.shape_cast %get3A_378 : vector<1x16xf32> to vector<16xf32>
      %mul3A_380 = arith.mulf %get3A_99, %get3A_379 : vector<16xf32>
      %add3A_381 = arith.addf %mul3A_380, %get3A_139 : vector<16xf32>
      %swap3A_382 = arith.index_cast %scan3A_299 : i32 to index
      %swap3A_383 = arith.constant 112 : index
      %swap3A_384 = tpu.vector_load %arg10[%swap3A_382, %swap3A_383] {strides = array<i32>} : memref<64x128xf32, #tpu.memory_space<vmem>>, vector<1x16xf32>,
      %swap3A_385 = vector.shape_cast %swap3A_384 : vector<1x16xf32> to vector<16xf32>
      %swap3A_386 = vector.shape_cast %add3A_381 : vector<16xf32> to vector<1x16xf32>
      tpu.vector_store %arg10[%swap3A_382, %swap3A_383], %swap3A_386 {strides = array<i32>} : memref<64x128xf32, #tpu.memory_space<vmem>>, vector<1x16xf32>,
    }
    %scan3A_148 = arith.constant 64 : i32
    %add3A_149 = arith.constant 0 : i32
    %add3A_150 = arith.addi %mul3A_2, %add3A_149 : i32
    %dma_start3A_151 = arith.constant 0 : i32
    %dma_start3A_152 = tpu.memref_slice %arg6[%add3A_150, %dma_start3A_151] : memref<16384x128xf32, #tpu.memory_space<hbm>> -> memref<64x128xf32, #tpu.memory_space<hbm>>
    %dma_start3A_153 = arith.constant 0 : i32
    %dma_start3A_154 = tpu.memref_slice %arg6[%add3A_150, %dma_start3A_153] : memref<16384x128xf32, #tpu.memory_space<hbm>> -> memref<64x128xf32, #tpu.memory_space<hbm>>
    tpu.enqueue_dma source(%arg10 : memref<64x128xf32, #tpu.memory_space<vmem>>) target(%dma_start3A_154 : memref<64x128xf32, #tpu.memory_space<hbm>>) target_semaphore(%arg27 : memref<!tpu.dma_semaphore, #tpu.memory_space<semaphore_mem>>)
    %dma_wait3A_155 = arith.constant 0 : i32
    %dma_wait3A_156 = tpu.memref_slice %arg3[%add3A_15, %dma_wait3A_155] : memref<16384x128xf32, #tpu.memory_space<hbm>> -> memref<64x128xf32, #tpu.memory_space<hbm>>
    %dma_wait3A_157 = arith.constant 0 : i32
    %dma_wait3A_158 = tpu.memref_slice %arg3[%add3A_15, %dma_wait3A_157] : memref<16384x128xf32, #tpu.memory_space<hbm>> -> memref<64x128xf32, #tpu.memory_space<hbm>>
    tpu.wait_dma2 semaphore(%arg20 : memref<!tpu.dma_semaphore, #tpu.memory_space<semaphore_mem>>) src(%dma_wait3A_158 : memref<64x128xf32, #tpu.memory_space<hbm>>) dst(%arg11 : memref<64x128xf32, #tpu.memory_space<vmem>>)
    %scan3A_159 = arith.constant 0 : i32
    %scan3A_160 = arith.constant 0 : i32
    %scan3A_161 = arith.constant 64 : i32
    %scan3A_162 = arith.addi %scan3A_160, %scan3A_161 : i32
    %scan3A_163 = arith.constant 1 : i32
    scf.for %scan3A_299 = %scan3A_160 to %scan3A_162 step %scan3A_163  : i32 {
      %get3A_300 = arith.index_cast %scan3A_299 : i32 to index
      %get3A_301 = arith.constant 0 : index
      %get3A_302 = tpu.vector_load %arg11[%get3A_300, %get3A_301] {strides = array<i32>} : memref<64x128xf32, #tpu.memory_space<vmem>>, vector<1x16xf32>,
      %get3A_303 = vector.shape_cast %get3A_302 : vector<1x16xf32> to vector<16xf32>
      %mul3A_304 = arith.mulf %get3A_64, %get3A_303 : vector<16xf32>
      %add3A_305 = arith.addf %mul3A_304, %get3A_104 : vector<16xf32>
      %swap3A = arith.index_cast %scan3A_299 : i32 to index
      %swap3A_306 = arith.constant 0 : index
      %swap3A_307 = tpu.vector_load %arg11[%swap3A, %swap3A_306] {strides = array<i32>} : memref<64x128xf32, #tpu.memory_space<vmem>>, vector<1x16xf32>,
      %swap3A_308 = vector.shape_cast %swap3A_307 : vector<1x16xf32> to vector<16xf32>
      %swap3A_309 = vector.shape_cast %add3A_305 : vector<16xf32> to vector<1x16xf32>
      tpu.vector_store %arg11[%swap3A, %swap3A_306], %swap3A_309 {strides = array<i32>} : memref<64x128xf32, #tpu.memory_space<vmem>>, vector<1x16xf32>,
      %get3A_310 = arith.index_cast %scan3A_299 : i32 to index
      %get3A_311 = arith.constant 16 : index
      %get3A_312 = tpu.vector_load %arg11[%get3A_310, %get3A_311] {strides = array<i32>} : memref<64x128xf32, #tpu.memory_space<vmem>>, vector<1x16xf32>,
      %get3A_313 = vector.shape_cast %get3A_312 : vector<1x16xf32> to vector<16xf32>
      %mul3A_314 = arith.mulf %get3A_69, %get3A_313 : vector<16xf32>
      %add3A_315 = arith.addf %mul3A_314, %get3A_109 : vector<16xf32>
      %swap3A_316 = arith.index_cast %scan3A_299 : i32 to index
      %swap3A_317 = arith.constant 16 : index
      %swap3A_318 = tpu.vector_load %arg11[%swap3A_316, %swap3A_317] {strides = array<i32>} : memref<64x128xf32, #tpu.memory_space<vmem>>, vector<1x16xf32>,
      %swap3A_319 = vector.shape_cast %swap3A_318 : vector<1x16xf32> to vector<16xf32>
      %swap3A_320 = vector.shape_cast %add3A_315 : vector<16xf32> to vector<1x16xf32>
      tpu.vector_store %arg11[%swap3A_316, %swap3A_317], %swap3A_320 {strides = array<i32>} : memref<64x128xf32, #tpu.memory_space<vmem>>, vector<1x16xf32>,
      %get3A_321 = arith.index_cast %scan3A_299 : i32 to index
      %get3A_322 = arith.constant 32 : index
      %get3A_323 = tpu.vector_load %arg11[%get3A_321, %get3A_322] {strides = array<i32>} : memref<64x128xf32, #tpu.memory_space<vmem>>, vector<1x16xf32>,
      %get3A_324 = vector.shape_cast %get3A_323 : vector<1x16xf32> to vector<16xf32>
      %mul3A_325 = arith.mulf %get3A_74, %get3A_324 : vector<16xf32>
      %add3A_326 = arith.addf %mul3A_325, %get3A_114 : vector<16xf32>
      %swap3A_327 = arith.index_cast %scan3A_299 : i32 to index
      %swap3A_328 = arith.constant 32 : index
      %swap3A_329 = tpu.vector_load %arg11[%swap3A_327, %swap3A_328] {strides = array<i32>} : memref<64x128xf32, #tpu.memory_space<vmem>>, vector<1x16xf32>,
      %swap3A_330 = vector.shape_cast %swap3A_329 : vector<1x16xf32> to vector<16xf32>
      %swap3A_331 = vector.shape_cast %add3A_326 : vector<16xf32> to vector<1x16xf32>
      tpu.vector_store %arg11[%swap3A_327, %swap3A_328], %swap3A_331 {strides = array<i32>} : memref<64x128xf32, #tpu.memory_space<vmem>>, vector<1x16xf32>,
      %get3A_332 = arith.index_cast %scan3A_299 : i32 to index
      %get3A_333 = arith.constant 48 : index
      %get3A_334 = tpu.vector_load %arg11[%get3A_332, %get3A_333] {strides = array<i32>} : memref<64x128xf32, #tpu.memory_space<vmem>>, vector<1x16xf32>,
      %get3A_335 = vector.shape_cast %get3A_334 : vector<1x16xf32> to vector<16xf32>
      %mul3A_336 = arith.mulf %get3A_79, %get3A_335 : vector<16xf32>
      %add3A_337 = arith.addf %mul3A_336, %get3A_119 : vector<16xf32>
      %swap3A_338 = arith.index_cast %scan3A_299 : i32 to index
      %swap3A_339 = arith.constant 48 : index
      %swap3A_340 = tpu.vector_load %arg11[%swap3A_338, %swap3A_339] {strides = array<i32>} : memref<64x128xf32, #tpu.memory_space<vmem>>, vector<1x16xf32>,
      %swap3A_341 = vector.shape_cast %swap3A_340 : vector<1x16xf32> to vector<16xf32>
      %swap3A_342 = vector.shape_cast %add3A_337 : vector<16xf32> to vector<1x16xf32>
      tpu.vector_store %arg11[%swap3A_338, %swap3A_339], %swap3A_342 {strides = array<i32>} : memref<64x128xf32, #tpu.memory_space<vmem>>, vector<1x16xf32>,
      %get3A_343 = arith.index_cast %scan3A_299 : i32 to index
      %get3A_344 = arith.constant 64 : index
      %get3A_345 = tpu.vector_load %arg11[%get3A_343, %get3A_344] {strides = array<i32>} : memref<64x128xf32, #tpu.memory_space<vmem>>, vector<1x16xf32>,
      %get3A_346 = vector.shape_cast %get3A_345 : vector<1x16xf32> to vector<16xf32>
      %mul3A_347 = arith.mulf %get3A_84, %get3A_346 : vector<16xf32>
      %add3A_348 = arith.addf %mul3A_347, %get3A_124 : vector<16xf32>
      %swap3A_349 = arith.index_cast %scan3A_299 : i32 to index
      %swap3A_350 = arith.constant 64 : index
      %swap3A_351 = tpu.vector_load %arg11[%swap3A_349, %swap3A_350] {strides = array<i32>} : memref<64x128xf32, #tpu.memory_space<vmem>>, vector<1x16xf32>,
      %swap3A_352 = vector.shape_cast %swap3A_351 : vector<1x16xf32> to vector<16xf32>
      %swap3A_353 = vector.shape_cast %add3A_348 : vector<16xf32> to vector<1x16xf32>
      tpu.vector_store %arg11[%swap3A_349, %swap3A_350], %swap3A_353 {strides = array<i32>} : memref<64x128xf32, #tpu.memory_space<vmem>>, vector<1x16xf32>,
      %get3A_354 = arith.index_cast %scan3A_299 : i32 to index
      %get3A_355 = arith.constant 80 : index
      %get3A_356 = tpu.vector_load %arg11[%get3A_354, %get3A_355] {strides = array<i32>} : memref<64x128xf32, #tpu.memory_space<vmem>>, vector<1x16xf32>,
      %get3A_357 = vector.shape_cast %get3A_356 : vector<1x16xf32> to vector<16xf32>
      %mul3A_358 = arith.mulf %get3A_89, %get3A_357 : vector<16xf32>
      %add3A_359 = arith.addf %mul3A_358, %get3A_129 : vector<16xf32>
      %swap3A_360 = arith.index_cast %scan3A_299 : i32 to index
      %swap3A_361 = arith.constant 80 : index
      %swap3A_362 = tpu.vector_load %arg11[%swap3A_360, %swap3A_361] {strides = array<i32>} : memref<64x128xf32, #tpu.memory_space<vmem>>, vector<1x16xf32>,
      %swap3A_363 = vector.shape_cast %swap3A_362 : vector<1x16xf32> to vector<16xf32>
      %swap3A_364 = vector.shape_cast %add3A_359 : vector<16xf32> to vector<1x16xf32>
      tpu.vector_store %arg11[%swap3A_360, %swap3A_361], %swap3A_364 {strides = array<i32>} : memref<64x128xf32, #tpu.memory_space<vmem>>, vector<1x16xf32>,
      %get3A_365 = arith.index_cast %scan3A_299 : i32 to index
      %get3A_366 = arith.constant 96 : index
      %get3A_367 = tpu.vector_load %arg11[%get3A_365, %get3A_366] {strides = array<i32>} : memref<64x128xf32, #tpu.memory_space<vmem>>, vector<1x16xf32>,
      %get3A_368 = vector.shape_cast %get3A_367 : vector<1x16xf32> to vector<16xf32>
      %mul3A_369 = arith.mulf %get3A_94, %get3A_368 : vector<16xf32>
      %add3A_370 = arith.addf %mul3A_369, %get3A_134 : vector<16xf32>
      %swap3A_371 = arith.index_cast %scan3A_299 : i32 to index
      %swap3A_372 = arith.constant 96 : index
      %swap3A_373 = tpu.vector_load %arg11[%swap3A_371, %swap3A_372] {strides = array<i32>} : memref<64x128xf32, #tpu.memory_space<vmem>>, vector<1x16xf32>,
      %swap3A_374 = vector.shape_cast %swap3A_373 : vector<1x16xf32> to vector<16xf32>
      %swap3A_375 = vector.shape_cast %add3A_370 : vector<16xf32> to vector<1x16xf32>
      tpu.vector_store %arg11[%swap3A_371, %swap3A_372], %swap3A_375 {strides = array<i32>} : memref<64x128xf32, #tpu.memory_space<vmem>>, vector<1x16xf32>,
      %get3A_376 = arith.index_cast %scan3A_299 : i32 to index
      %get3A_377 = arith.constant 112 : index
      %get3A_378 = tpu.vector_load %arg11[%get3A_376, %get3A_377] {strides = array<i32>} : memref<64x128xf32, #tpu.memory_space<vmem>>, vector<1x16xf32>,
      %get3A_379 = vector.shape_cast %get3A_378 : vector<1x16xf32> to vector<16xf32>
      %mul3A_380 = arith.mulf %get3A_99, %get3A_379 : vector<16xf32>
      %add3A_381 = arith.addf %mul3A_380, %get3A_139 : vector<16xf32>
      %swap3A_382 = arith.index_cast %scan3A_299 : i32 to index
      %swap3A_383 = arith.constant 112 : index
      %swap3A_384 = tpu.vector_load %arg11[%swap3A_382, %swap3A_383] {strides = array<i32>} : memref<64x128xf32, #tpu.memory_space<vmem>>, vector<1x16xf32>,
      %swap3A_385 = vector.shape_cast %swap3A_384 : vector<1x16xf32> to vector<16xf32>
      %swap3A_386 = vector.shape_cast %add3A_381 : vector<16xf32> to vector<1x16xf32>
      tpu.vector_store %arg11[%swap3A_382, %swap3A_383], %swap3A_386 {strides = array<i32>} : memref<64x128xf32, #tpu.memory_space<vmem>>, vector<1x16xf32>,
    }
    %scan3A_164 = arith.constant 64 : i32
    %add3A_165 = arith.constant 64 : i32
    %add3A_166 = arith.addi %mul3A_2, %add3A_165 : i32
    %dma_start3A_167 = arith.constant 0 : i32
    %dma_start3A_168 = tpu.memref_slice %arg6[%add3A_166, %dma_start3A_167] : memref<16384x128xf32, #tpu.memory_space<hbm>> -> memref<64x128xf32, #tpu.memory_space<hbm>>
    %dma_start3A_169 = arith.constant 0 : i32
    %dma_start3A_170 = tpu.memref_slice %arg6[%add3A_166, %dma_start3A_169] : memref<16384x128xf32, #tpu.memory_space<hbm>> -> memref<64x128xf32, #tpu.memory_space<hbm>>
    tpu.enqueue_dma source(%arg11 : memref<64x128xf32, #tpu.memory_space<vmem>>) target(%dma_start3A_170 : memref<64x128xf32, #tpu.memory_space<hbm>>) target_semaphore(%arg28 : memref<!tpu.dma_semaphore, #tpu.memory_space<semaphore_mem>>)
    %dma_wait3A_171 = arith.constant 0 : i32
    %dma_wait3A_172 = tpu.memref_slice %arg3[%add3A_21, %dma_wait3A_171] : memref<16384x128xf32, #tpu.memory_space<hbm>> -> memref<64x128xf32, #tpu.memory_space<hbm>>
    %dma_wait3A_173 = arith.constant 0 : i32
    %dma_wait3A_174 = tpu.memref_slice %arg3[%add3A_21, %dma_wait3A_173] : memref<16384x128xf32, #tpu.memory_space<hbm>> -> memref<64x128xf32, #tpu.memory_space<hbm>>
    tpu.wait_dma2 semaphore(%arg21 : memref<!tpu.dma_semaphore, #tpu.memory_space<semaphore_mem>>) src(%dma_wait3A_174 : memref<64x128xf32, #tpu.memory_space<hbm>>) dst(%arg12 : memref<64x128xf32, #tpu.memory_space<vmem>>)
    %scan3A_175 = arith.constant 0 : i32
    %scan3A_176 = arith.constant 0 : i32
    %scan3A_177 = arith.constant 64 : i32
    %scan3A_178 = arith.addi %scan3A_176, %scan3A_177 : i32
    %scan3A_179 = arith.constant 1 : i32
    scf.for %scan3A_299 = %scan3A_176 to %scan3A_178 step %scan3A_179  : i32 {
      %get3A_300 = arith.index_cast %scan3A_299 : i32 to index
      %get3A_301 = arith.constant 0 : index
      %get3A_302 = tpu.vector_load %arg12[%get3A_300, %get3A_301] {strides = array<i32>} : memref<64x128xf32, #tpu.memory_space<vmem>>, vector<1x16xf32>,
      %get3A_303 = vector.shape_cast %get3A_302 : vector<1x16xf32> to vector<16xf32>
      %mul3A_304 = arith.mulf %get3A_64, %get3A_303 : vector<16xf32>
      %add3A_305 = arith.addf %mul3A_304, %get3A_104 : vector<16xf32>
      %swap3A = arith.index_cast %scan3A_299 : i32 to index
      %swap3A_306 = arith.constant 0 : index
      %swap3A_307 = tpu.vector_load %arg12[%swap3A, %swap3A_306] {strides = array<i32>} : memref<64x128xf32, #tpu.memory_space<vmem>>, vector<1x16xf32>,
      %swap3A_308 = vector.shape_cast %swap3A_307 : vector<1x16xf32> to vector<16xf32>
      %swap3A_309 = vector.shape_cast %add3A_305 : vector<16xf32> to vector<1x16xf32>
      tpu.vector_store %arg12[%swap3A, %swap3A_306], %swap3A_309 {strides = array<i32>} : memref<64x128xf32, #tpu.memory_space<vmem>>, vector<1x16xf32>,
      %get3A_310 = arith.index_cast %scan3A_299 : i32 to index
      %get3A_311 = arith.constant 16 : index
      %get3A_312 = tpu.vector_load %arg12[%get3A_310, %get3A_311] {strides = array<i32>} : memref<64x128xf32, #tpu.memory_space<vmem>>, vector<1x16xf32>,
      %get3A_313 = vector.shape_cast %get3A_312 : vector<1x16xf32> to vector<16xf32>
      %mul3A_314 = arith.mulf %get3A_69, %get3A_313 : vector<16xf32>
      %add3A_315 = arith.addf %mul3A_314, %get3A_109 : vector<16xf32>
      %swap3A_316 = arith.index_cast %scan3A_299 : i32 to index
      %swap3A_317 = arith.constant 16 : index
      %swap3A_318 = tpu.vector_load %arg12[%swap3A_316, %swap3A_317] {strides = array<i32>} : memref<64x128xf32, #tpu.memory_space<vmem>>, vector<1x16xf32>,
      %swap3A_319 = vector.shape_cast %swap3A_318 : vector<1x16xf32> to vector<16xf32>
      %swap3A_320 = vector.shape_cast %add3A_315 : vector<16xf32> to vector<1x16xf32>
      tpu.vector_store %arg12[%swap3A_316, %swap3A_317], %swap3A_320 {strides = array<i32>} : memref<64x128xf32, #tpu.memory_space<vmem>>, vector<1x16xf32>,
      %get3A_321 = arith.index_cast %scan3A_299 : i32 to index
      %get3A_322 = arith.constant 32 : index
      %get3A_323 = tpu.vector_load %arg12[%get3A_321, %get3A_322] {strides = array<i32>} : memref<64x128xf32, #tpu.memory_space<vmem>>, vector<1x16xf32>,
      %get3A_324 = vector.shape_cast %get3A_323 : vector<1x16xf32> to vector<16xf32>
      %mul3A_325 = arith.mulf %get3A_74, %get3A_324 : vector<16xf32>
      %add3A_326 = arith.addf %mul3A_325, %get3A_114 : vector<16xf32>
      %swap3A_327 = arith.index_cast %scan3A_299 : i32 to index
      %swap3A_328 = arith.constant 32 : index
      %swap3A_329 = tpu.vector_load %arg12[%swap3A_327, %swap3A_328] {strides = array<i32>} : memref<64x128xf32, #tpu.memory_space<vmem>>, vector<1x16xf32>,
      %swap3A_330 = vector.shape_cast %swap3A_329 : vector<1x16xf32> to vector<16xf32>
      %swap3A_331 = vector.shape_cast %add3A_326 : vector<16xf32> to vector<1x16xf32>
      tpu.vector_store %arg12[%swap3A_327, %swap3A_328], %swap3A_331 {strides = array<i32>} : memref<64x128xf32, #tpu.memory_space<vmem>>, vector<1x16xf32>,
      %get3A_332 = arith.index_cast %scan3A_299 : i32 to index
      %get3A_333 = arith.constant 48 : index
      %get3A_334 = tpu.vector_load %arg12[%get3A_332, %get3A_333] {strides = array<i32>} : memref<64x128xf32, #tpu.memory_space<vmem>>, vector<1x16xf32>,
      %get3A_335 = vector.shape_cast %get3A_334 : vector<1x16xf32> to vector<16xf32>
      %mul3A_336 = arith.mulf %get3A_79, %get3A_335 : vector<16xf32>
      %add3A_337 = arith.addf %mul3A_336, %get3A_119 : vector<16xf32>
      %swap3A_338 = arith.index_cast %scan3A_299 : i32 to index
      %swap3A_339 = arith.constant 48 : index
      %swap3A_340 = tpu.vector_load %arg12[%swap3A_338, %swap3A_339] {strides = array<i32>} : memref<64x128xf32, #tpu.memory_space<vmem>>, vector<1x16xf32>,
      %swap3A_341 = vector.shape_cast %swap3A_340 : vector<1x16xf32> to vector<16xf32>
      %swap3A_342 = vector.shape_cast %add3A_337 : vector<16xf32> to vector<1x16xf32>
      tpu.vector_store %arg12[%swap3A_338, %swap3A_339], %swap3A_342 {strides = array<i32>} : memref<64x128xf32, #tpu.memory_space<vmem>>, vector<1x16xf32>,
      %get3A_343 = arith.index_cast %scan3A_299 : i32 to index
      %get3A_344 = arith.constant 64 : index
      %get3A_345 = tpu.vector_load %arg12[%get3A_343, %get3A_344] {strides = array<i32>} : memref<64x128xf32, #tpu.memory_space<vmem>>, vector<1x16xf32>,
      %get3A_346 = vector.shape_cast %get3A_345 : vector<1x16xf32> to vector<16xf32>
      %mul3A_347 = arith.mulf %get3A_84, %get3A_346 : vector<16xf32>
      %add3A_348 = arith.addf %mul3A_347, %get3A_124 : vector<16xf32>
      %swap3A_349 = arith.index_cast %scan3A_299 : i32 to index
      %swap3A_350 = arith.constant 64 : index
      %swap3A_351 = tpu.vector_load %arg12[%swap3A_349, %swap3A_350] {strides = array<i32>} : memref<64x128xf32, #tpu.memory_space<vmem>>, vector<1x16xf32>,
      %swap3A_352 = vector.shape_cast %swap3A_351 : vector<1x16xf32> to vector<16xf32>
      %swap3A_353 = vector.shape_cast %add3A_348 : vector<16xf32> to vector<1x16xf32>
      tpu.vector_store %arg12[%swap3A_349, %swap3A_350], %swap3A_353 {strides = array<i32>} : memref<64x128xf32, #tpu.memory_space<vmem>>, vector<1x16xf32>,
      %get3A_354 = arith.index_cast %scan3A_299 : i32 to index
      %get3A_355 = arith.constant 80 : index
      %get3A_356 = tpu.vector_load %arg12[%get3A_354, %get3A_355] {strides = array<i32>} : memref<64x128xf32, #tpu.memory_space<vmem>>, vector<1x16xf32>,
      %get3A_357 = vector.shape_cast %get3A_356 : vector<1x16xf32> to vector<16xf32>
      %mul3A_358 = arith.mulf %get3A_89, %get3A_357 : vector<16xf32>
      %add3A_359 = arith.addf %mul3A_358, %get3A_129 : vector<16xf32>
      %swap3A_360 = arith.index_cast %scan3A_299 : i32 to index
      %swap3A_361 = arith.constant 80 : index
      %swap3A_362 = tpu.vector_load %arg12[%swap3A_360, %swap3A_361] {strides = array<i32>} : memref<64x128xf32, #tpu.memory_space<vmem>>, vector<1x16xf32>,
      %swap3A_363 = vector.shape_cast %swap3A_362 : vector<1x16xf32> to vector<16xf32>
      %swap3A_364 = vector.shape_cast %add3A_359 : vector<16xf32> to vector<1x16xf32>
      tpu.vector_store %arg12[%swap3A_360, %swap3A_361], %swap3A_364 {strides = array<i32>} : memref<64x128xf32, #tpu.memory_space<vmem>>, vector<1x16xf32>,
      %get3A_365 = arith.index_cast %scan3A_299 : i32 to index
      %get3A_366 = arith.constant 96 : index
      %get3A_367 = tpu.vector_load %arg12[%get3A_365, %get3A_366] {strides = array<i32>} : memref<64x128xf32, #tpu.memory_space<vmem>>, vector<1x16xf32>,
      %get3A_368 = vector.shape_cast %get3A_367 : vector<1x16xf32> to vector<16xf32>
      %mul3A_369 = arith.mulf %get3A_94, %get3A_368 : vector<16xf32>
      %add3A_370 = arith.addf %mul3A_369, %get3A_134 : vector<16xf32>
      %swap3A_371 = arith.index_cast %scan3A_299 : i32 to index
      %swap3A_372 = arith.constant 96 : index
      %swap3A_373 = tpu.vector_load %arg12[%swap3A_371, %swap3A_372] {strides = array<i32>} : memref<64x128xf32, #tpu.memory_space<vmem>>, vector<1x16xf32>,
      %swap3A_374 = vector.shape_cast %swap3A_373 : vector<1x16xf32> to vector<16xf32>
      %swap3A_375 = vector.shape_cast %add3A_370 : vector<16xf32> to vector<1x16xf32>
      tpu.vector_store %arg12[%swap3A_371, %swap3A_372], %swap3A_375 {strides = array<i32>} : memref<64x128xf32, #tpu.memory_space<vmem>>, vector<1x16xf32>,
      %get3A_376 = arith.index_cast %scan3A_299 : i32 to index
      %get3A_377 = arith.constant 112 : index
      %get3A_378 = tpu.vector_load %arg12[%get3A_376, %get3A_377] {strides = array<i32>} : memref<64x128xf32, #tpu.memory_space<vmem>>, vector<1x16xf32>,
      %get3A_379 = vector.shape_cast %get3A_378 : vector<1x16xf32> to vector<16xf32>
      %mul3A_380 = arith.mulf %get3A_99, %get3A_379 : vector<16xf32>
      %add3A_381 = arith.addf %mul3A_380, %get3A_139 : vector<16xf32>
      %swap3A_382 = arith.index_cast %scan3A_299 : i32 to index
      %swap3A_383 = arith.constant 112 : index
      %swap3A_384 = tpu.vector_load %arg12[%swap3A_382, %swap3A_383] {strides = array<i32>} : memref<64x128xf32, #tpu.memory_space<vmem>>, vector<1x16xf32>,
      %swap3A_385 = vector.shape_cast %swap3A_384 : vector<1x16xf32> to vector<16xf32>
      %swap3A_386 = vector.shape_cast %add3A_381 : vector<16xf32> to vector<1x16xf32>
      tpu.vector_store %arg12[%swap3A_382, %swap3A_383], %swap3A_386 {strides = array<i32>} : memref<64x128xf32, #tpu.memory_space<vmem>>, vector<1x16xf32>,
    }
    %scan3A_180 = arith.constant 64 : i32
    %add3A_181 = arith.constant 128 : i32
    %add3A_182 = arith.addi %mul3A_2, %add3A_181 : i32
    %dma_start3A_183 = arith.constant 0 : i32
    %dma_start3A_184 = tpu.memref_slice %arg6[%add3A_182, %dma_start3A_183] : memref<16384x128xf32, #tpu.memory_space<hbm>> -> memref<64x128xf32, #tpu.memory_space<hbm>>
    %dma_start3A_185 = arith.constant 0 : i32
    %dma_start3A_186 = tpu.memref_slice %arg6[%add3A_182, %dma_start3A_185] : memref<16384x128xf32, #tpu.memory_space<hbm>> -> memref<64x128xf32, #tpu.memory_space<hbm>>
    tpu.enqueue_dma source(%arg12 : memref<64x128xf32, #tpu.memory_space<vmem>>) target(%dma_start3A_186 : memref<64x128xf32, #tpu.memory_space<hbm>>) target_semaphore(%arg29 : memref<!tpu.dma_semaphore, #tpu.memory_space<semaphore_mem>>)
    %dma_wait3A_187 = arith.constant 0 : i32
    %dma_wait3A_188 = tpu.memref_slice %arg3[%add3A_27, %dma_wait3A_187] : memref<16384x128xf32, #tpu.memory_space<hbm>> -> memref<64x128xf32, #tpu.memory_space<hbm>>
    %dma_wait3A_189 = arith.constant 0 : i32
    %dma_wait3A_190 = tpu.memref_slice %arg3[%add3A_27, %dma_wait3A_189] : memref<16384x128xf32, #tpu.memory_space<hbm>> -> memref<64x128xf32, #tpu.memory_space<hbm>>
    tpu.wait_dma2 semaphore(%arg22 : memref<!tpu.dma_semaphore, #tpu.memory_space<semaphore_mem>>) src(%dma_wait3A_190 : memref<64x128xf32, #tpu.memory_space<hbm>>) dst(%arg13 : memref<64x128xf32, #tpu.memory_space<vmem>>)
    %scan3A_191 = arith.constant 0 : i32
    %scan3A_192 = arith.constant 0 : i32
    %scan3A_193 = arith.constant 64 : i32
    %scan3A_194 = arith.addi %scan3A_192, %scan3A_193 : i32
    %scan3A_195 = arith.constant 1 : i32
    scf.for %scan3A_299 = %scan3A_192 to %scan3A_194 step %scan3A_195  : i32 {
      %get3A_300 = arith.index_cast %scan3A_299 : i32 to index
      %get3A_301 = arith.constant 0 : index
      %get3A_302 = tpu.vector_load %arg13[%get3A_300, %get3A_301] {strides = array<i32>} : memref<64x128xf32, #tpu.memory_space<vmem>>, vector<1x16xf32>,
      %get3A_303 = vector.shape_cast %get3A_302 : vector<1x16xf32> to vector<16xf32>
      %mul3A_304 = arith.mulf %get3A_64, %get3A_303 : vector<16xf32>
      %add3A_305 = arith.addf %mul3A_304, %get3A_104 : vector<16xf32>
      %swap3A = arith.index_cast %scan3A_299 : i32 to index
      %swap3A_306 = arith.constant 0 : index
      %swap3A_307 = tpu.vector_load %arg13[%swap3A, %swap3A_306] {strides = array<i32>} : memref<64x128xf32, #tpu.memory_space<vmem>>, vector<1x16xf32>,
      %swap3A_308 = vector.shape_cast %swap3A_307 : vector<1x16xf32> to vector<16xf32>
      %swap3A_309 = vector.shape_cast %add3A_305 : vector<16xf32> to vector<1x16xf32>
      tpu.vector_store %arg13[%swap3A, %swap3A_306], %swap3A_309 {strides = array<i32>} : memref<64x128xf32, #tpu.memory_space<vmem>>, vector<1x16xf32>,
      %get3A_310 = arith.index_cast %scan3A_299 : i32 to index
      %get3A_311 = arith.constant 16 : index
      %get3A_312 = tpu.vector_load %arg13[%get3A_310, %get3A_311] {strides = array<i32>} : memref<64x128xf32, #tpu.memory_space<vmem>>, vector<1x16xf32>,
      %get3A_313 = vector.shape_cast %get3A_312 : vector<1x16xf32> to vector<16xf32>
      %mul3A_314 = arith.mulf %get3A_69, %get3A_313 : vector<16xf32>
      %add3A_315 = arith.addf %mul3A_314, %get3A_109 : vector<16xf32>
      %swap3A_316 = arith.index_cast %scan3A_299 : i32 to index
      %swap3A_317 = arith.constant 16 : index
      %swap3A_318 = tpu.vector_load %arg13[%swap3A_316, %swap3A_317] {strides = array<i32>} : memref<64x128xf32, #tpu.memory_space<vmem>>, vector<1x16xf32>,
      %swap3A_319 = vector.shape_cast %swap3A_318 : vector<1x16xf32> to vector<16xf32>
      %swap3A_320 = vector.shape_cast %add3A_315 : vector<16xf32> to vector<1x16xf32>
      tpu.vector_store %arg13[%swap3A_316, %swap3A_317], %swap3A_320 {strides = array<i32>} : memref<64x128xf32, #tpu.memory_space<vmem>>, vector<1x16xf32>,
      %get3A_321 = arith.index_cast %scan3A_299 : i32 to index
      %get3A_322 = arith.constant 32 : index
      %get3A_323 = tpu.vector_load %arg13[%get3A_321, %get3A_322] {strides = array<i32>} : memref<64x128xf32, #tpu.memory_space<vmem>>, vector<1x16xf32>,
      %get3A_324 = vector.shape_cast %get3A_323 : vector<1x16xf32> to vector<16xf32>
      %mul3A_325 = arith.mulf %get3A_74, %get3A_324 : vector<16xf32>
      %add3A_326 = arith.addf %mul3A_325, %get3A_114 : vector<16xf32>
      %swap3A_327 = arith.index_cast %scan3A_299 : i32 to index
      %swap3A_328 = arith.constant 32 : index
      %swap3A_329 = tpu.vector_load %arg13[%swap3A_327, %swap3A_328] {strides = array<i32>} : memref<64x128xf32, #tpu.memory_space<vmem>>, vector<1x16xf32>,
      %swap3A_330 = vector.shape_cast %swap3A_329 : vector<1x16xf32> to vector<16xf32>
      %swap3A_331 = vector.shape_cast %add3A_326 : vector<16xf32> to vector<1x16xf32>
      tpu.vector_store %arg13[%swap3A_327, %swap3A_328], %swap3A_331 {strides = array<i32>} : memref<64x128xf32, #tpu.memory_space<vmem>>, vector<1x16xf32>,
      %get3A_332 = arith.index_cast %scan3A_299 : i32 to index
      %get3A_333 = arith.constant 48 : index
      %get3A_334 = tpu.vector_load %arg13[%get3A_332, %get3A_333] {strides = array<i32>} : memref<64x128xf32, #tpu.memory_space<vmem>>, vector<1x16xf32>,
      %get3A_335 = vector.shape_cast %get3A_334 : vector<1x16xf32> to vector<16xf32>
      %mul3A_336 = arith.mulf %get3A_79, %get3A_335 : vector<16xf32>
      %add3A_337 = arith.addf %mul3A_336, %get3A_119 : vector<16xf32>
      %swap3A_338 = arith.index_cast %scan3A_299 : i32 to index
      %swap3A_339 = arith.constant 48 : index
      %swap3A_340 = tpu.vector_load %arg13[%swap3A_338, %swap3A_339] {strides = array<i32>} : memref<64x128xf32, #tpu.memory_space<vmem>>, vector<1x16xf32>,
      %swap3A_341 = vector.shape_cast %swap3A_340 : vector<1x16xf32> to vector<16xf32>
      %swap3A_342 = vector.shape_cast %add3A_337 : vector<16xf32> to vector<1x16xf32>
      tpu.vector_store %arg13[%swap3A_338, %swap3A_339], %swap3A_342 {strides = array<i32>} : memref<64x128xf32, #tpu.memory_space<vmem>>, vector<1x16xf32>,
      %get3A_343 = arith.index_cast %scan3A_299 : i32 to index
      %get3A_344 = arith.constant 64 : index
      %get3A_345 = tpu.vector_load %arg13[%get3A_343, %get3A_344] {strides = array<i32>} : memref<64x128xf32, #tpu.memory_space<vmem>>, vector<1x16xf32>,
      %get3A_346 = vector.shape_cast %get3A_345 : vector<1x16xf32> to vector<16xf32>
      %mul3A_347 = arith.mulf %get3A_84, %get3A_346 : vector<16xf32>
      %add3A_348 = arith.addf %mul3A_347, %get3A_124 : vector<16xf32>
      %swap3A_349 = arith.index_cast %scan3A_299 : i32 to index
      %swap3A_350 = arith.constant 64 : index
      %swap3A_351 = tpu.vector_load %arg13[%swap3A_349, %swap3A_350] {strides = array<i32>} : memref<64x128xf32, #tpu.memory_space<vmem>>, vector<1x16xf32>,
      %swap3A_352 = vector.shape_cast %swap3A_351 : vector<1x16xf32> to vector<16xf32>
      %swap3A_353 = vector.shape_cast %add3A_348 : vector<16xf32> to vector<1x16xf32>
      tpu.vector_store %arg13[%swap3A_349, %swap3A_350], %swap3A_353 {strides = array<i32>} : memref<64x128xf32, #tpu.memory_space<vmem>>, vector<1x16xf32>,
      %get3A_354 = arith.index_cast %scan3A_299 : i32 to index
      %get3A_355 = arith.constant 80 : index
      %get3A_356 = tpu.vector_load %arg13[%get3A_354, %get3A_355] {strides = array<i32>} : memref<64x128xf32, #tpu.memory_space<vmem>>, vector<1x16xf32>,
      %get3A_357 = vector.shape_cast %get3A_356 : vector<1x16xf32> to vector<16xf32>
      %mul3A_358 = arith.mulf %get3A_89, %get3A_357 : vector<16xf32>
      %add3A_359 = arith.addf %mul3A_358, %get3A_129 : vector<16xf32>
      %swap3A_360 = arith.index_cast %scan3A_299 : i32 to index
      %swap3A_361 = arith.constant 80 : index
      %swap3A_362 = tpu.vector_load %arg13[%swap3A_360, %swap3A_361] {strides = array<i32>} : memref<64x128xf32, #tpu.memory_space<vmem>>, vector<1x16xf32>,
      %swap3A_363 = vector.shape_cast %swap3A_362 : vector<1x16xf32> to vector<16xf32>
      %swap3A_364 = vector.shape_cast %add3A_359 : vector<16xf32> to vector<1x16xf32>
      tpu.vector_store %arg13[%swap3A_360, %swap3A_361], %swap3A_364 {strides = array<i32>} : memref<64x128xf32, #tpu.memory_space<vmem>>, vector<1x16xf32>,
      %get3A_365 = arith.index_cast %scan3A_299 : i32 to index
      %get3A_366 = arith.constant 96 : index
      %get3A_367 = tpu.vector_load %arg13[%get3A_365, %get3A_366] {strides = array<i32>} : memref<64x128xf32, #tpu.memory_space<vmem>>, vector<1x16xf32>,
      %get3A_368 = vector.shape_cast %get3A_367 : vector<1x16xf32> to vector<16xf32>
      %mul3A_369 = arith.mulf %get3A_94, %get3A_368 : vector<16xf32>
      %add3A_370 = arith.addf %mul3A_369, %get3A_134 : vector<16xf32>
      %swap3A_371 = arith.index_cast %scan3A_299 : i32 to index
      %swap3A_372 = arith.constant 96 : index
      %swap3A_373 = tpu.vector_load %arg13[%swap3A_371, %swap3A_372] {strides = array<i32>} : memref<64x128xf32, #tpu.memory_space<vmem>>, vector<1x16xf32>,
      %swap3A_374 = vector.shape_cast %swap3A_373 : vector<1x16xf32> to vector<16xf32>
      %swap3A_375 = vector.shape_cast %add3A_370 : vector<16xf32> to vector<1x16xf32>
      tpu.vector_store %arg13[%swap3A_371, %swap3A_372], %swap3A_375 {strides = array<i32>} : memref<64x128xf32, #tpu.memory_space<vmem>>, vector<1x16xf32>,
      %get3A_376 = arith.index_cast %scan3A_299 : i32 to index
      %get3A_377 = arith.constant 112 : index
      %get3A_378 = tpu.vector_load %arg13[%get3A_376, %get3A_377] {strides = array<i32>} : memref<64x128xf32, #tpu.memory_space<vmem>>, vector<1x16xf32>,
      %get3A_379 = vector.shape_cast %get3A_378 : vector<1x16xf32> to vector<16xf32>
      %mul3A_380 = arith.mulf %get3A_99, %get3A_379 : vector<16xf32>
      %add3A_381 = arith.addf %mul3A_380, %get3A_139 : vector<16xf32>
      %swap3A_382 = arith.index_cast %scan3A_299 : i32 to index
      %swap3A_383 = arith.constant 112 : index
      %swap3A_384 = tpu.vector_load %arg13[%swap3A_382, %swap3A_383] {strides = array<i32>} : memref<64x128xf32, #tpu.memory_space<vmem>>, vector<1x16xf32>,
      %swap3A_385 = vector.shape_cast %swap3A_384 : vector<1x16xf32> to vector<16xf32>
      %swap3A_386 = vector.shape_cast %add3A_381 : vector<16xf32> to vector<1x16xf32>
      tpu.vector_store %arg13[%swap3A_382, %swap3A_383], %swap3A_386 {strides = array<i32>} : memref<64x128xf32, #tpu.memory_space<vmem>>, vector<1x16xf32>,
    }
    %scan3A_196 = arith.constant 64 : i32
    %add3A_197 = arith.constant 192 : i32
    %add3A_198 = arith.addi %mul3A_2, %add3A_197 : i32
    %dma_start3A_199 = arith.constant 0 : i32
    %dma_start3A_200 = tpu.memref_slice %arg6[%add3A_198, %dma_start3A_199] : memref<16384x128xf32, #tpu.memory_space<hbm>> -> memref<64x128xf32, #tpu.memory_space<hbm>>
    %dma_start3A_201 = arith.constant 0 : i32
    %dma_start3A_202 = tpu.memref_slice %arg6[%add3A_198, %dma_start3A_201] : memref<16384x128xf32, #tpu.memory_space<hbm>> -> memref<64x128xf32, #tpu.memory_space<hbm>>
    tpu.enqueue_dma source(%arg13 : memref<64x128xf32, #tpu.memory_space<vmem>>) target(%dma_start3A_202 : memref<64x128xf32, #tpu.memory_space<hbm>>) target_semaphore(%arg30 : memref<!tpu.dma_semaphore, #tpu.memory_space<semaphore_mem>>)
    %dma_wait3A_203 = arith.constant 0 : i32
    %dma_wait3A_204 = tpu.memref_slice %arg3[%add3A_33, %dma_wait3A_203] : memref<16384x128xf32, #tpu.memory_space<hbm>> -> memref<64x128xf32, #tpu.memory_space<hbm>>
    %dma_wait3A_205 = arith.constant 0 : i32
    %dma_wait3A_206 = tpu.memref_slice %arg3[%add3A_33, %dma_wait3A_205] : memref<16384x128xf32, #tpu.memory_space<hbm>> -> memref<64x128xf32, #tpu.memory_space<hbm>>
    tpu.wait_dma2 semaphore(%arg23 : memref<!tpu.dma_semaphore, #tpu.memory_space<semaphore_mem>>) src(%dma_wait3A_206 : memref<64x128xf32, #tpu.memory_space<hbm>>) dst(%arg14 : memref<64x128xf32, #tpu.memory_space<vmem>>)
    %scan3A_207 = arith.constant 0 : i32
    %scan3A_208 = arith.constant 0 : i32
    %scan3A_209 = arith.constant 64 : i32
    %scan3A_210 = arith.addi %scan3A_208, %scan3A_209 : i32
    %scan3A_211 = arith.constant 1 : i32
    scf.for %scan3A_299 = %scan3A_208 to %scan3A_210 step %scan3A_211  : i32 {
      %get3A_300 = arith.index_cast %scan3A_299 : i32 to index
      %get3A_301 = arith.constant 0 : index
      %get3A_302 = tpu.vector_load %arg14[%get3A_300, %get3A_301] {strides = array<i32>} : memref<64x128xf32, #tpu.memory_space<vmem>>, vector<1x16xf32>,
      %get3A_303 = vector.shape_cast %get3A_302 : vector<1x16xf32> to vector<16xf32>
      %mul3A_304 = arith.mulf %get3A_64, %get3A_303 : vector<16xf32>
      %add3A_305 = arith.addf %mul3A_304, %get3A_104 : vector<16xf32>
      %swap3A = arith.index_cast %scan3A_299 : i32 to index
      %swap3A_306 = arith.constant 0 : index
      %swap3A_307 = tpu.vector_load %arg14[%swap3A, %swap3A_306] {strides = array<i32>} : memref<64x128xf32, #tpu.memory_space<vmem>>, vector<1x16xf32>,
      %swap3A_308 = vector.shape_cast %swap3A_307 : vector<1x16xf32> to vector<16xf32>
      %swap3A_309 = vector.shape_cast %add3A_305 : vector<16xf32> to vector<1x16xf32>
      tpu.vector_store %arg14[%swap3A, %swap3A_306], %swap3A_309 {strides = array<i32>} : memref<64x128xf32, #tpu.memory_space<vmem>>, vector<1x16xf32>,
      %get3A_310 = arith.index_cast %scan3A_299 : i32 to index
      %get3A_311 = arith.constant 16 : index
      %get3A_312 = tpu.vector_load %arg14[%get3A_310, %get3A_311] {strides = array<i32>} : memref<64x128xf32, #tpu.memory_space<vmem>>, vector<1x16xf32>,
      %get3A_313 = vector.shape_cast %get3A_312 : vector<1x16xf32> to vector<16xf32>
      %mul3A_314 = arith.mulf %get3A_69, %get3A_313 : vector<16xf32>
      %add3A_315 = arith.addf %mul3A_314, %get3A_109 : vector<16xf32>
      %swap3A_316 = arith.index_cast %scan3A_299 : i32 to index
      %swap3A_317 = arith.constant 16 : index
      %swap3A_318 = tpu.vector_load %arg14[%swap3A_316, %swap3A_317] {strides = array<i32>} : memref<64x128xf32, #tpu.memory_space<vmem>>, vector<1x16xf32>,
      %swap3A_319 = vector.shape_cast %swap3A_318 : vector<1x16xf32> to vector<16xf32>
      %swap3A_320 = vector.shape_cast %add3A_315 : vector<16xf32> to vector<1x16xf32>
      tpu.vector_store %arg14[%swap3A_316, %swap3A_317], %swap3A_320 {strides = array<i32>} : memref<64x128xf32, #tpu.memory_space<vmem>>, vector<1x16xf32>,
      %get3A_321 = arith.index_cast %scan3A_299 : i32 to index
      %get3A_322 = arith.constant 32 : index
      %get3A_323 = tpu.vector_load %arg14[%get3A_321, %get3A_322] {strides = array<i32>} : memref<64x128xf32, #tpu.memory_space<vmem>>, vector<1x16xf32>,
      %get3A_324 = vector.shape_cast %get3A_323 : vector<1x16xf32> to vector<16xf32>
      %mul3A_325 = arith.mulf %get3A_74, %get3A_324 : vector<16xf32>
      %add3A_326 = arith.addf %mul3A_325, %get3A_114 : vector<16xf32>
      %swap3A_327 = arith.index_cast %scan3A_299 : i32 to index
      %swap3A_328 = arith.constant 32 : index
      %swap3A_329 = tpu.vector_load %arg14[%swap3A_327, %swap3A_328] {strides = array<i32>} : memref<64x128xf32, #tpu.memory_space<vmem>>, vector<1x16xf32>,
      %swap3A_330 = vector.shape_cast %swap3A_329 : vector<1x16xf32> to vector<16xf32>
      %swap3A_331 = vector.shape_cast %add3A_326 : vector<16xf32> to vector<1x16xf32>
      tpu.vector_store %arg14[%swap3A_327, %swap3A_328], %swap3A_331 {strides = array<i32>} : memref<64x128xf32, #tpu.memory_space<vmem>>, vector<1x16xf32>,
      %get3A_332 = arith.index_cast %scan3A_299 : i32 to index
      %get3A_333 = arith.constant 48 : index
      %get3A_334 = tpu.vector_load %arg14[%get3A_332, %get3A_333] {strides = array<i32>} : memref<64x128xf32, #tpu.memory_space<vmem>>, vector<1x16xf32>,
      %get3A_335 = vector.shape_cast %get3A_334 : vector<1x16xf32> to vector<16xf32>
      %mul3A_336 = arith.mulf %get3A_79, %get3A_335 : vector<16xf32>
      %add3A_337 = arith.addf %mul3A_336, %get3A_119 : vector<16xf32>
      %swap3A_338 = arith.index_cast %scan3A_299 : i32 to index
      %swap3A_339 = arith.constant 48 : index
      %swap3A_340 = tpu.vector_load %arg14[%swap3A_338, %swap3A_339] {strides = array<i32>} : memref<64x128xf32, #tpu.memory_space<vmem>>, vector<1x16xf32>,
      %swap3A_341 = vector.shape_cast %swap3A_340 : vector<1x16xf32> to vector<16xf32>
      %swap3A_342 = vector.shape_cast %add3A_337 : vector<16xf32> to vector<1x16xf32>
      tpu.vector_store %arg14[%swap3A_338, %swap3A_339], %swap3A_342 {strides = array<i32>} : memref<64x128xf32, #tpu.memory_space<vmem>>, vector<1x16xf32>,
      %get3A_343 = arith.index_cast %scan3A_299 : i32 to index
      %get3A_344 = arith.constant 64 : index
      %get3A_345 = tpu.vector_load %arg14[%get3A_343, %get3A_344] {strides = array<i32>} : memref<64x128xf32, #tpu.memory_space<vmem>>, vector<1x16xf32>,
      %get3A_346 = vector.shape_cast %get3A_345 : vector<1x16xf32> to vector<16xf32>
      %mul3A_347 = arith.mulf %get3A_84, %get3A_346 : vector<16xf32>
      %add3A_348 = arith.addf %mul3A_347, %get3A_124 : vector<16xf32>
      %swap3A_349 = arith.index_cast %scan3A_299 : i32 to index
      %swap3A_350 = arith.constant 64 : index
      %swap3A_351 = tpu.vector_load %arg14[%swap3A_349, %swap3A_350] {strides = array<i32>} : memref<64x128xf32, #tpu.memory_space<vmem>>, vector<1x16xf32>,
      %swap3A_352 = vector.shape_cast %swap3A_351 : vector<1x16xf32> to vector<16xf32>
      %swap3A_353 = vector.shape_cast %add3A_348 : vector<16xf32> to vector<1x16xf32>
      tpu.vector_store %arg14[%swap3A_349, %swap3A_350], %swap3A_353 {strides = array<i32>} : memref<64x128xf32, #tpu.memory_space<vmem>>, vector<1x16xf32>,
      %get3A_354 = arith.index_cast %scan3A_299 : i32 to index
      %get3A_355 = arith.constant 80 : index
      %get3A_356 = tpu.vector_load %arg14[%get3A_354, %get3A_355] {strides = array<i32>} : memref<64x128xf32, #tpu.memory_space<vmem>>, vector<1x16xf32>,
      %get3A_357 = vector.shape_cast %get3A_356 : vector<1x16xf32> to vector<16xf32>
      %mul3A_358 = arith.mulf %get3A_89, %get3A_357 : vector<16xf32>
      %add3A_359 = arith.addf %mul3A_358, %get3A_129 : vector<16xf32>
      %swap3A_360 = arith.index_cast %scan3A_299 : i32 to index
      %swap3A_361 = arith.constant 80 : index
      %swap3A_362 = tpu.vector_load %arg14[%swap3A_360, %swap3A_361] {strides = array<i32>} : memref<64x128xf32, #tpu.memory_space<vmem>>, vector<1x16xf32>,
      %swap3A_363 = vector.shape_cast %swap3A_362 : vector<1x16xf32> to vector<16xf32>
      %swap3A_364 = vector.shape_cast %add3A_359 : vector<16xf32> to vector<1x16xf32>
      tpu.vector_store %arg14[%swap3A_360, %swap3A_361], %swap3A_364 {strides = array<i32>} : memref<64x128xf32, #tpu.memory_space<vmem>>, vector<1x16xf32>,
      %get3A_365 = arith.index_cast %scan3A_299 : i32 to index
      %get3A_366 = arith.constant 96 : index
      %get3A_367 = tpu.vector_load %arg14[%get3A_365, %get3A_366] {strides = array<i32>} : memref<64x128xf32, #tpu.memory_space<vmem>>, vector<1x16xf32>,
      %get3A_368 = vector.shape_cast %get3A_367 : vector<1x16xf32> to vector<16xf32>
      %mul3A_369 = arith.mulf %get3A_94, %get3A_368 : vector<16xf32>
      %add3A_370 = arith.addf %mul3A_369, %get3A_134 : vector<16xf32>
      %swap3A_371 = arith.index_cast %scan3A_299 : i32 to index
      %swap3A_372 = arith.constant 96 : index
      %swap3A_373 = tpu.vector_load %arg14[%swap3A_371, %swap3A_372] {strides = array<i32>} : memref<64x128xf32, #tpu.memory_space<vmem>>, vector<1x16xf32>,
      %swap3A_374 = vector.shape_cast %swap3A_373 : vector<1x16xf32> to vector<16xf32>
      %swap3A_375 = vector.shape_cast %add3A_370 : vector<16xf32> to vector<1x16xf32>
      tpu.vector_store %arg14[%swap3A_371, %swap3A_372], %swap3A_375 {strides = array<i32>} : memref<64x128xf32, #tpu.memory_space<vmem>>, vector<1x16xf32>,
      %get3A_376 = arith.index_cast %scan3A_299 : i32 to index
      %get3A_377 = arith.constant 112 : index
      %get3A_378 = tpu.vector_load %arg14[%get3A_376, %get3A_377] {strides = array<i32>} : memref<64x128xf32, #tpu.memory_space<vmem>>, vector<1x16xf32>,
      %get3A_379 = vector.shape_cast %get3A_378 : vector<1x16xf32> to vector<16xf32>
      %mul3A_380 = arith.mulf %get3A_99, %get3A_379 : vector<16xf32>
      %add3A_381 = arith.addf %mul3A_380, %get3A_139 : vector<16xf32>
      %swap3A_382 = arith.index_cast %scan3A_299 : i32 to index
      %swap3A_383 = arith.constant 112 : index
      %swap3A_384 = tpu.vector_load %arg14[%swap3A_382, %swap3A_383] {strides = array<i32>} : memref<64x128xf32, #tpu.memory_space<vmem>>, vector<1x16xf32>,
      %swap3A_385 = vector.shape_cast %swap3A_384 : vector<1x16xf32> to vector<16xf32>
      %swap3A_386 = vector.shape_cast %add3A_381 : vector<16xf32> to vector<1x16xf32>
      tpu.vector_store %arg14[%swap3A_382, %swap3A_383], %swap3A_386 {strides = array<i32>} : memref<64x128xf32, #tpu.memory_space<vmem>>, vector<1x16xf32>,
    }
    %scan3A_212 = arith.constant 64 : i32
    %add3A_213 = arith.constant 256 : i32
    %add3A_214 = arith.addi %mul3A_2, %add3A_213 : i32
    %dma_start3A_215 = arith.constant 0 : i32
    %dma_start3A_216 = tpu.memref_slice %arg6[%add3A_214, %dma_start3A_215] : memref<16384x128xf32, #tpu.memory_space<hbm>> -> memref<64x128xf32, #tpu.memory_space<hbm>>
    %dma_start3A_217 = arith.constant 0 : i32
    %dma_start3A_218 = tpu.memref_slice %arg6[%add3A_214, %dma_start3A_217] : memref<16384x128xf32, #tpu.memory_space<hbm>> -> memref<64x128xf32, #tpu.memory_space<hbm>>
    tpu.enqueue_dma source(%arg14 : memref<64x128xf32, #tpu.memory_space<vmem>>) target(%dma_start3A_218 : memref<64x128xf32, #tpu.memory_space<hbm>>) target_semaphore(%arg31 : memref<!tpu.dma_semaphore, #tpu.memory_space<semaphore_mem>>)
    %dma_wait3A_219 = arith.constant 0 : i32
    %dma_wait3A_220 = tpu.memref_slice %arg3[%add3A_39, %dma_wait3A_219] : memref<16384x128xf32, #tpu.memory_space<hbm>> -> memref<64x128xf32, #tpu.memory_space<hbm>>
    %dma_wait3A_221 = arith.constant 0 : i32
    %dma_wait3A_222 = tpu.memref_slice %arg3[%add3A_39, %dma_wait3A_221] : memref<16384x128xf32, #tpu.memory_space<hbm>> -> memref<64x128xf32, #tpu.memory_space<hbm>>
    tpu.wait_dma2 semaphore(%arg24 : memref<!tpu.dma_semaphore, #tpu.memory_space<semaphore_mem>>) src(%dma_wait3A_222 : memref<64x128xf32, #tpu.memory_space<hbm>>) dst(%arg15 : memref<64x128xf32, #tpu.memory_space<vmem>>)
    %scan3A_223 = arith.constant 0 : i32
    %scan3A_224 = arith.constant 0 : i32
    %scan3A_225 = arith.constant 64 : i32
    %scan3A_226 = arith.addi %scan3A_224, %scan3A_225 : i32
    %scan3A_227 = arith.constant 1 : i32
    scf.for %scan3A_299 = %scan3A_224 to %scan3A_226 step %scan3A_227  : i32 {
      %get3A_300 = arith.index_cast %scan3A_299 : i32 to index
      %get3A_301 = arith.constant 0 : index
      %get3A_302 = tpu.vector_load %arg15[%get3A_300, %get3A_301] {strides = array<i32>} : memref<64x128xf32, #tpu.memory_space<vmem>>, vector<1x16xf32>,
      %get3A_303 = vector.shape_cast %get3A_302 : vector<1x16xf32> to vector<16xf32>
      %mul3A_304 = arith.mulf %get3A_64, %get3A_303 : vector<16xf32>
      %add3A_305 = arith.addf %mul3A_304, %get3A_104 : vector<16xf32>
      %swap3A = arith.index_cast %scan3A_299 : i32 to index
      %swap3A_306 = arith.constant 0 : index
      %swap3A_307 = tpu.vector_load %arg15[%swap3A, %swap3A_306] {strides = array<i32>} : memref<64x128xf32, #tpu.memory_space<vmem>>, vector<1x16xf32>,
      %swap3A_308 = vector.shape_cast %swap3A_307 : vector<1x16xf32> to vector<16xf32>
      %swap3A_309 = vector.shape_cast %add3A_305 : vector<16xf32> to vector<1x16xf32>
      tpu.vector_store %arg15[%swap3A, %swap3A_306], %swap3A_309 {strides = array<i32>} : memref<64x128xf32, #tpu.memory_space<vmem>>, vector<1x16xf32>,
      %get3A_310 = arith.index_cast %scan3A_299 : i32 to index
      %get3A_311 = arith.constant 16 : index
      %get3A_312 = tpu.vector_load %arg15[%get3A_310, %get3A_311] {strides = array<i32>} : memref<64x128xf32, #tpu.memory_space<vmem>>, vector<1x16xf32>,
      %get3A_313 = vector.shape_cast %get3A_312 : vector<1x16xf32> to vector<16xf32>
      %mul3A_314 = arith.mulf %get3A_69, %get3A_313 : vector<16xf32>
      %add3A_315 = arith.addf %mul3A_314, %get3A_109 : vector<16xf32>
      %swap3A_316 = arith.index_cast %scan3A_299 : i32 to index
      %swap3A_317 = arith.constant 16 : index
      %swap3A_318 = tpu.vector_load %arg15[%swap3A_316, %swap3A_317] {strides = array<i32>} : memref<64x128xf32, #tpu.memory_space<vmem>>, vector<1x16xf32>,
      %swap3A_319 = vector.shape_cast %swap3A_318 : vector<1x16xf32> to vector<16xf32>
      %swap3A_320 = vector.shape_cast %add3A_315 : vector<16xf32> to vector<1x16xf32>
      tpu.vector_store %arg15[%swap3A_316, %swap3A_317], %swap3A_320 {strides = array<i32>} : memref<64x128xf32, #tpu.memory_space<vmem>>, vector<1x16xf32>,
      %get3A_321 = arith.index_cast %scan3A_299 : i32 to index
      %get3A_322 = arith.constant 32 : index
      %get3A_323 = tpu.vector_load %arg15[%get3A_321, %get3A_322] {strides = array<i32>} : memref<64x128xf32, #tpu.memory_space<vmem>>, vector<1x16xf32>,
      %get3A_324 = vector.shape_cast %get3A_323 : vector<1x16xf32> to vector<16xf32>
      %mul3A_325 = arith.mulf %get3A_74, %get3A_324 : vector<16xf32>
      %add3A_326 = arith.addf %mul3A_325, %get3A_114 : vector<16xf32>
      %swap3A_327 = arith.index_cast %scan3A_299 : i32 to index
      %swap3A_328 = arith.constant 32 : index
      %swap3A_329 = tpu.vector_load %arg15[%swap3A_327, %swap3A_328] {strides = array<i32>} : memref<64x128xf32, #tpu.memory_space<vmem>>, vector<1x16xf32>,
      %swap3A_330 = vector.shape_cast %swap3A_329 : vector<1x16xf32> to vector<16xf32>
      %swap3A_331 = vector.shape_cast %add3A_326 : vector<16xf32> to vector<1x16xf32>
      tpu.vector_store %arg15[%swap3A_327, %swap3A_328], %swap3A_331 {strides = array<i32>} : memref<64x128xf32, #tpu.memory_space<vmem>>, vector<1x16xf32>,
      %get3A_332 = arith.index_cast %scan3A_299 : i32 to index
      %get3A_333 = arith.constant 48 : index
      %get3A_334 = tpu.vector_load %arg15[%get3A_332, %get3A_333] {strides = array<i32>} : memref<64x128xf32, #tpu.memory_space<vmem>>, vector<1x16xf32>,
      %get3A_335 = vector.shape_cast %get3A_334 : vector<1x16xf32> to vector<16xf32>
      %mul3A_336 = arith.mulf %get3A_79, %get3A_335 : vector<16xf32>
      %add3A_337 = arith.addf %mul3A_336, %get3A_119 : vector<16xf32>
      %swap3A_338 = arith.index_cast %scan3A_299 : i32 to index
      %swap3A_339 = arith.constant 48 : index
      %swap3A_340 = tpu.vector_load %arg15[%swap3A_338, %swap3A_339] {strides = array<i32>} : memref<64x128xf32, #tpu.memory_space<vmem>>, vector<1x16xf32>,
      %swap3A_341 = vector.shape_cast %swap3A_340 : vector<1x16xf32> to vector<16xf32>
      %swap3A_342 = vector.shape_cast %add3A_337 : vector<16xf32> to vector<1x16xf32>
      tpu.vector_store %arg15[%swap3A_338, %swap3A_339], %swap3A_342 {strides = array<i32>} : memref<64x128xf32, #tpu.memory_space<vmem>>, vector<1x16xf32>,
      %get3A_343 = arith.index_cast %scan3A_299 : i32 to index
      %get3A_344 = arith.constant 64 : index
      %get3A_345 = tpu.vector_load %arg15[%get3A_343, %get3A_344] {strides = array<i32>} : memref<64x128xf32, #tpu.memory_space<vmem>>, vector<1x16xf32>,
      %get3A_346 = vector.shape_cast %get3A_345 : vector<1x16xf32> to vector<16xf32>
      %mul3A_347 = arith.mulf %get3A_84, %get3A_346 : vector<16xf32>
      %add3A_348 = arith.addf %mul3A_347, %get3A_124 : vector<16xf32>
      %swap3A_349 = arith.index_cast %scan3A_299 : i32 to index
      %swap3A_350 = arith.constant 64 : index
      %swap3A_351 = tpu.vector_load %arg15[%swap3A_349, %swap3A_350] {strides = array<i32>} : memref<64x128xf32, #tpu.memory_space<vmem>>, vector<1x16xf32>,
      %swap3A_352 = vector.shape_cast %swap3A_351 : vector<1x16xf32> to vector<16xf32>
      %swap3A_353 = vector.shape_cast %add3A_348 : vector<16xf32> to vector<1x16xf32>
      tpu.vector_store %arg15[%swap3A_349, %swap3A_350], %swap3A_353 {strides = array<i32>} : memref<64x128xf32, #tpu.memory_space<vmem>>, vector<1x16xf32>,
      %get3A_354 = arith.index_cast %scan3A_299 : i32 to index
      %get3A_355 = arith.constant 80 : index
      %get3A_356 = tpu.vector_load %arg15[%get3A_354, %get3A_355] {strides = array<i32>} : memref<64x128xf32, #tpu.memory_space<vmem>>, vector<1x16xf32>,
      %get3A_357 = vector.shape_cast %get3A_356 : vector<1x16xf32> to vector<16xf32>
      %mul3A_358 = arith.mulf %get3A_89, %get3A_357 : vector<16xf32>
      %add3A_359 = arith.addf %mul3A_358, %get3A_129 : vector<16xf32>
      %swap3A_360 = arith.index_cast %scan3A_299 : i32 to index
      %swap3A_361 = arith.constant 80 : index
      %swap3A_362 = tpu.vector_load %arg15[%swap3A_360, %swap3A_361] {strides = array<i32>} : memref<64x128xf32, #tpu.memory_space<vmem>>, vector<1x16xf32>,
      %swap3A_363 = vector.shape_cast %swap3A_362 : vector<1x16xf32> to vector<16xf32>
      %swap3A_364 = vector.shape_cast %add3A_359 : vector<16xf32> to vector<1x16xf32>
      tpu.vector_store %arg15[%swap3A_360, %swap3A_361], %swap3A_364 {strides = array<i32>} : memref<64x128xf32, #tpu.memory_space<vmem>>, vector<1x16xf32>,
      %get3A_365 = arith.index_cast %scan3A_299 : i32 to index
      %get3A_366 = arith.constant 96 : index
      %get3A_367 = tpu.vector_load %arg15[%get3A_365, %get3A_366] {strides = array<i32>} : memref<64x128xf32, #tpu.memory_space<vmem>>, vector<1x16xf32>,
      %get3A_368 = vector.shape_cast %get3A_367 : vector<1x16xf32> to vector<16xf32>
      %mul3A_369 = arith.mulf %get3A_94, %get3A_368 : vector<16xf32>
      %add3A_370 = arith.addf %mul3A_369, %get3A_134 : vector<16xf32>
      %swap3A_371 = arith.index_cast %scan3A_299 : i32 to index
      %swap3A_372 = arith.constant 96 : index
      %swap3A_373 = tpu.vector_load %arg15[%swap3A_371, %swap3A_372] {strides = array<i32>} : memref<64x128xf32, #tpu.memory_space<vmem>>, vector<1x16xf32>,
      %swap3A_374 = vector.shape_cast %swap3A_373 : vector<1x16xf32> to vector<16xf32>
      %swap3A_375 = vector.shape_cast %add3A_370 : vector<16xf32> to vector<1x16xf32>
      tpu.vector_store %arg15[%swap3A_371, %swap3A_372], %swap3A_375 {strides = array<i32>} : memref<64x128xf32, #tpu.memory_space<vmem>>, vector<1x16xf32>,
      %get3A_376 = arith.index_cast %scan3A_299 : i32 to index
      %get3A_377 = arith.constant 112 : index
      %get3A_378 = tpu.vector_load %arg15[%get3A_376, %get3A_377] {strides = array<i32>} : memref<64x128xf32, #tpu.memory_space<vmem>>, vector<1x16xf32>,
      %get3A_379 = vector.shape_cast %get3A_378 : vector<1x16xf32> to vector<16xf32>
      %mul3A_380 = arith.mulf %get3A_99, %get3A_379 : vector<16xf32>
      %add3A_381 = arith.addf %mul3A_380, %get3A_139 : vector<16xf32>
      %swap3A_382 = arith.index_cast %scan3A_299 : i32 to index
      %swap3A_383 = arith.constant 112 : index
      %swap3A_384 = tpu.vector_load %arg15[%swap3A_382, %swap3A_383] {strides = array<i32>} : memref<64x128xf32, #tpu.memory_space<vmem>>, vector<1x16xf32>,
      %swap3A_385 = vector.shape_cast %swap3A_384 : vector<1x16xf32> to vector<16xf32>
      %swap3A_386 = vector.shape_cast %add3A_381 : vector<16xf32> to vector<1x16xf32>
      tpu.vector_store %arg15[%swap3A_382, %swap3A_383], %swap3A_386 {strides = array<i32>} : memref<64x128xf32, #tpu.memory_space<vmem>>, vector<1x16xf32>,
    }
    %scan3A_228 = arith.constant 64 : i32
    %add3A_229 = arith.constant 320 : i32
    %add3A_230 = arith.addi %mul3A_2, %add3A_229 : i32
    %dma_start3A_231 = arith.constant 0 : i32
    %dma_start3A_232 = tpu.memref_slice %arg6[%add3A_230, %dma_start3A_231] : memref<16384x128xf32, #tpu.memory_space<hbm>> -> memref<64x128xf32, #tpu.memory_space<hbm>>
    %dma_start3A_233 = arith.constant 0 : i32
    %dma_start3A_234 = tpu.memref_slice %arg6[%add3A_230, %dma_start3A_233] : memref<16384x128xf32, #tpu.memory_space<hbm>> -> memref<64x128xf32, #tpu.memory_space<hbm>>
    tpu.enqueue_dma source(%arg15 : memref<64x128xf32, #tpu.memory_space<vmem>>) target(%dma_start3A_234 : memref<64x128xf32, #tpu.memory_space<hbm>>) target_semaphore(%arg32 : memref<!tpu.dma_semaphore, #tpu.memory_space<semaphore_mem>>)
    %dma_wait3A_235 = arith.constant 0 : i32
    %dma_wait3A_236 = tpu.memref_slice %arg3[%add3A_45, %dma_wait3A_235] : memref<16384x128xf32, #tpu.memory_space<hbm>> -> memref<64x128xf32, #tpu.memory_space<hbm>>
    %dma_wait3A_237 = arith.constant 0 : i32
    %dma_wait3A_238 = tpu.memref_slice %arg3[%add3A_45, %dma_wait3A_237] : memref<16384x128xf32, #tpu.memory_space<hbm>> -> memref<64x128xf32, #tpu.memory_space<hbm>>
    tpu.wait_dma2 semaphore(%arg25 : memref<!tpu.dma_semaphore, #tpu.memory_space<semaphore_mem>>) src(%dma_wait3A_238 : memref<64x128xf32, #tpu.memory_space<hbm>>) dst(%arg16 : memref<64x128xf32, #tpu.memory_space<vmem>>)
    %scan3A_239 = arith.constant 0 : i32
    %scan3A_240 = arith.constant 0 : i32
    %scan3A_241 = arith.constant 64 : i32
    %scan3A_242 = arith.addi %scan3A_240, %scan3A_241 : i32
    %scan3A_243 = arith.constant 1 : i32
    scf.for %scan3A_299 = %scan3A_240 to %scan3A_242 step %scan3A_243  : i32 {
      %get3A_300 = arith.index_cast %scan3A_299 : i32 to index
      %get3A_301 = arith.constant 0 : index
      %get3A_302 = tpu.vector_load %arg16[%get3A_300, %get3A_301] {strides = array<i32>} : memref<64x128xf32, #tpu.memory_space<vmem>>, vector<1x16xf32>,
      %get3A_303 = vector.shape_cast %get3A_302 : vector<1x16xf32> to vector<16xf32>
      %mul3A_304 = arith.mulf %get3A_64, %get3A_303 : vector<16xf32>
      %add3A_305 = arith.addf %mul3A_304, %get3A_104 : vector<16xf32>
      %swap3A = arith.index_cast %scan3A_299 : i32 to index
      %swap3A_306 = arith.constant 0 : index
      %swap3A_307 = tpu.vector_load %arg16[%swap3A, %swap3A_306] {strides = array<i32>} : memref<64x128xf32, #tpu.memory_space<vmem>>, vector<1x16xf32>,
      %swap3A_308 = vector.shape_cast %swap3A_307 : vector<1x16xf32> to vector<16xf32>
      %swap3A_309 = vector.shape_cast %add3A_305 : vector<16xf32> to vector<1x16xf32>
      tpu.vector_store %arg16[%swap3A, %swap3A_306], %swap3A_309 {strides = array<i32>} : memref<64x128xf32, #tpu.memory_space<vmem>>, vector<1x16xf32>,
      %get3A_310 = arith.index_cast %scan3A_299 : i32 to index
      %get3A_311 = arith.constant 16 : index
      %get3A_312 = tpu.vector_load %arg16[%get3A_310, %get3A_311] {strides = array<i32>} : memref<64x128xf32, #tpu.memory_space<vmem>>, vector<1x16xf32>,
      %get3A_313 = vector.shape_cast %get3A_312 : vector<1x16xf32> to vector<16xf32>
      %mul3A_314 = arith.mulf %get3A_69, %get3A_313 : vector<16xf32>
      %add3A_315 = arith.addf %mul3A_314, %get3A_109 : vector<16xf32>
      %swap3A_316 = arith.index_cast %scan3A_299 : i32 to index
      %swap3A_317 = arith.constant 16 : index
      %swap3A_318 = tpu.vector_load %arg16[%swap3A_316, %swap3A_317] {strides = array<i32>} : memref<64x128xf32, #tpu.memory_space<vmem>>, vector<1x16xf32>,
      %swap3A_319 = vector.shape_cast %swap3A_318 : vector<1x16xf32> to vector<16xf32>
      %swap3A_320 = vector.shape_cast %add3A_315 : vector<16xf32> to vector<1x16xf32>
      tpu.vector_store %arg16[%swap3A_316, %swap3A_317], %swap3A_320 {strides = array<i32>} : memref<64x128xf32, #tpu.memory_space<vmem>>, vector<1x16xf32>,
      %get3A_321 = arith.index_cast %scan3A_299 : i32 to index
      %get3A_322 = arith.constant 32 : index
      %get3A_323 = tpu.vector_load %arg16[%get3A_321, %get3A_322] {strides = array<i32>} : memref<64x128xf32, #tpu.memory_space<vmem>>, vector<1x16xf32>,
      %get3A_324 = vector.shape_cast %get3A_323 : vector<1x16xf32> to vector<16xf32>
      %mul3A_325 = arith.mulf %get3A_74, %get3A_324 : vector<16xf32>
      %add3A_326 = arith.addf %mul3A_325, %get3A_114 : vector<16xf32>
      %swap3A_327 = arith.index_cast %scan3A_299 : i32 to index
      %swap3A_328 = arith.constant 32 : index
      %swap3A_329 = tpu.vector_load %arg16[%swap3A_327, %swap3A_328] {strides = array<i32>} : memref<64x128xf32, #tpu.memory_space<vmem>>, vector<1x16xf32>,
      %swap3A_330 = vector.shape_cast %swap3A_329 : vector<1x16xf32> to vector<16xf32>
      %swap3A_331 = vector.shape_cast %add3A_326 : vector<16xf32> to vector<1x16xf32>
      tpu.vector_store %arg16[%swap3A_327, %swap3A_328], %swap3A_331 {strides = array<i32>} : memref<64x128xf32, #tpu.memory_space<vmem>>, vector<1x16xf32>,
      %get3A_332 = arith.index_cast %scan3A_299 : i32 to index
      %get3A_333 = arith.constant 48 : index
      %get3A_334 = tpu.vector_load %arg16[%get3A_332, %get3A_333] {strides = array<i32>} : memref<64x128xf32, #tpu.memory_space<vmem>>, vector<1x16xf32>,
      %get3A_335 = vector.shape_cast %get3A_334 : vector<1x16xf32> to vector<16xf32>
      %mul3A_336 = arith.mulf %get3A_79, %get3A_335 : vector<16xf32>
      %add3A_337 = arith.addf %mul3A_336, %get3A_119 : vector<16xf32>
      %swap3A_338 = arith.index_cast %scan3A_299 : i32 to index
      %swap3A_339 = arith.constant 48 : index
      %swap3A_340 = tpu.vector_load %arg16[%swap3A_338, %swap3A_339] {strides = array<i32>} : memref<64x128xf32, #tpu.memory_space<vmem>>, vector<1x16xf32>,
      %swap3A_341 = vector.shape_cast %swap3A_340 : vector<1x16xf32> to vector<16xf32>
      %swap3A_342 = vector.shape_cast %add3A_337 : vector<16xf32> to vector<1x16xf32>
      tpu.vector_store %arg16[%swap3A_338, %swap3A_339], %swap3A_342 {strides = array<i32>} : memref<64x128xf32, #tpu.memory_space<vmem>>, vector<1x16xf32>,
      %get3A_343 = arith.index_cast %scan3A_299 : i32 to index
      %get3A_344 = arith.constant 64 : index
      %get3A_345 = tpu.vector_load %arg16[%get3A_343, %get3A_344] {strides = array<i32>} : memref<64x128xf32, #tpu.memory_space<vmem>>, vector<1x16xf32>,
      %get3A_346 = vector.shape_cast %get3A_345 : vector<1x16xf32> to vector<16xf32>
      %mul3A_347 = arith.mulf %get3A_84, %get3A_346 : vector<16xf32>
      %add3A_348 = arith.addf %mul3A_347, %get3A_124 : vector<16xf32>
      %swap3A_349 = arith.index_cast %scan3A_299 : i32 to index
      %swap3A_350 = arith.constant 64 : index
      %swap3A_351 = tpu.vector_load %arg16[%swap3A_349, %swap3A_350] {strides = array<i32>} : memref<64x128xf32, #tpu.memory_space<vmem>>, vector<1x16xf32>,
      %swap3A_352 = vector.shape_cast %swap3A_351 : vector<1x16xf32> to vector<16xf32>
      %swap3A_353 = vector.shape_cast %add3A_348 : vector<16xf32> to vector<1x16xf32>
      tpu.vector_store %arg16[%swap3A_349, %swap3A_350], %swap3A_353 {strides = array<i32>} : memref<64x128xf32, #tpu.memory_space<vmem>>, vector<1x16xf32>,
      %get3A_354 = arith.index_cast %scan3A_299 : i32 to index
      %get3A_355 = arith.constant 80 : index
      %get3A_356 = tpu.vector_load %arg16[%get3A_354, %get3A_355] {strides = array<i32>} : memref<64x128xf32, #tpu.memory_space<vmem>>, vector<1x16xf32>,
      %get3A_357 = vector.shape_cast %get3A_356 : vector<1x16xf32> to vector<16xf32>
      %mul3A_358 = arith.mulf %get3A_89, %get3A_357 : vector<16xf32>
      %add3A_359 = arith.addf %mul3A_358, %get3A_129 : vector<16xf32>
      %swap3A_360 = arith.index_cast %scan3A_299 : i32 to index
      %swap3A_361 = arith.constant 80 : index
      %swap3A_362 = tpu.vector_load %arg16[%swap3A_360, %swap3A_361] {strides = array<i32>} : memref<64x128xf32, #tpu.memory_space<vmem>>, vector<1x16xf32>,
      %swap3A_363 = vector.shape_cast %swap3A_362 : vector<1x16xf32> to vector<16xf32>
      %swap3A_364 = vector.shape_cast %add3A_359 : vector<16xf32> to vector<1x16xf32>
      tpu.vector_store %arg16[%swap3A_360, %swap3A_361], %swap3A_364 {strides = array<i32>} : memref<64x128xf32, #tpu.memory_space<vmem>>, vector<1x16xf32>,
      %get3A_365 = arith.index_cast %scan3A_299 : i32 to index
      %get3A_366 = arith.constant 96 : index
      %get3A_367 = tpu.vector_load %arg16[%get3A_365, %get3A_366] {strides = array<i32>} : memref<64x128xf32, #tpu.memory_space<vmem>>, vector<1x16xf32>,
      %get3A_368 = vector.shape_cast %get3A_367 : vector<1x16xf32> to vector<16xf32>
      %mul3A_369 = arith.mulf %get3A_94, %get3A_368 : vector<16xf32>
      %add3A_370 = arith.addf %mul3A_369, %get3A_134 : vector<16xf32>
      %swap3A_371 = arith.index_cast %scan3A_299 : i32 to index
      %swap3A_372 = arith.constant 96 : index
      %swap3A_373 = tpu.vector_load %arg16[%swap3A_371, %swap3A_372] {strides = array<i32>} : memref<64x128xf32, #tpu.memory_space<vmem>>, vector<1x16xf32>,
      %swap3A_374 = vector.shape_cast %swap3A_373 : vector<1x16xf32> to vector<16xf32>
      %swap3A_375 = vector.shape_cast %add3A_370 : vector<16xf32> to vector<1x16xf32>
      tpu.vector_store %arg16[%swap3A_371, %swap3A_372], %swap3A_375 {strides = array<i32>} : memref<64x128xf32, #tpu.memory_space<vmem>>, vector<1x16xf32>,
      %get3A_376 = arith.index_cast %scan3A_299 : i32 to index
      %get3A_377 = arith.constant 112 : index
      %get3A_378 = tpu.vector_load %arg16[%get3A_376, %get3A_377] {strides = array<i32>} : memref<64x128xf32, #tpu.memory_space<vmem>>, vector<1x16xf32>,
      %get3A_379 = vector.shape_cast %get3A_378 : vector<1x16xf32> to vector<16xf32>
      %mul3A_380 = arith.mulf %get3A_99, %get3A_379 : vector<16xf32>
      %add3A_381 = arith.addf %mul3A_380, %get3A_139 : vector<16xf32>
      %swap3A_382 = arith.index_cast %scan3A_299 : i32 to index
      %swap3A_383 = arith.constant 112 : index
      %swap3A_384 = tpu.vector_load %arg16[%swap3A_382, %swap3A_383] {strides = array<i32>} : memref<64x128xf32, #tpu.memory_space<vmem>>, vector<1x16xf32>,
      %swap3A_385 = vector.shape_cast %swap3A_384 : vector<1x16xf32> to vector<16xf32>
      %swap3A_386 = vector.shape_cast %add3A_381 : vector<16xf32> to vector<1x16xf32>
      tpu.vector_store %arg16[%swap3A_382, %swap3A_383], %swap3A_386 {strides = array<i32>} : memref<64x128xf32, #tpu.memory_space<vmem>>, vector<1x16xf32>,
    }
    %scan3A_244 = arith.constant 64 : i32
    %add3A_245 = arith.constant 384 : i32
    %add3A_246 = arith.addi %mul3A_2, %add3A_245 : i32
    %dma_start3A_247 = arith.constant 0 : i32
    %dma_start3A_248 = tpu.memref_slice %arg6[%add3A_246, %dma_start3A_247] : memref<16384x128xf32, #tpu.memory_space<hbm>> -> memref<64x128xf32, #tpu.memory_space<hbm>>
    %dma_start3A_249 = arith.constant 0 : i32
    %dma_start3A_250 = tpu.memref_slice %arg6[%add3A_246, %dma_start3A_249] : memref<16384x128xf32, #tpu.memory_space<hbm>> -> memref<64x128xf32, #tpu.memory_space<hbm>>
    tpu.enqueue_dma source(%arg16 : memref<64x128xf32, #tpu.memory_space<vmem>>) target(%dma_start3A_250 : memref<64x128xf32, #tpu.memory_space<hbm>>) target_semaphore(%arg33 : memref<!tpu.dma_semaphore, #tpu.memory_space<semaphore_mem>>)
    %dma_wait3A_251 = arith.constant 0 : i32
    %dma_wait3A_252 = tpu.memref_slice %arg3[%add3A_51, %dma_wait3A_251] : memref<16384x128xf32, #tpu.memory_space<hbm>> -> memref<64x128xf32, #tpu.memory_space<hbm>>
    %dma_wait3A_253 = arith.constant 0 : i32
    %dma_wait3A_254 = tpu.memref_slice %arg3[%add3A_51, %dma_wait3A_253] : memref<16384x128xf32, #tpu.memory_space<hbm>> -> memref<64x128xf32, #tpu.memory_space<hbm>>
    tpu.wait_dma2 semaphore(%arg26 : memref<!tpu.dma_semaphore, #tpu.memory_space<semaphore_mem>>) src(%dma_wait3A_254 : memref<64x128xf32, #tpu.memory_space<hbm>>) dst(%arg17 : memref<64x128xf32, #tpu.memory_space<vmem>>)
    %scan3A_255 = arith.constant 0 : i32
    %scan3A_256 = arith.constant 0 : i32
    %scan3A_257 = arith.constant 64 : i32
    %scan3A_258 = arith.addi %scan3A_256, %scan3A_257 : i32
    %scan3A_259 = arith.constant 1 : i32
    scf.for %scan3A_299 = %scan3A_256 to %scan3A_258 step %scan3A_259  : i32 {
      %get3A_300 = arith.index_cast %scan3A_299 : i32 to index
      %get3A_301 = arith.constant 0 : index
      %get3A_302 = tpu.vector_load %arg17[%get3A_300, %get3A_301] {strides = array<i32>} : memref<64x128xf32, #tpu.memory_space<vmem>>, vector<1x16xf32>,
      %get3A_303 = vector.shape_cast %get3A_302 : vector<1x16xf32> to vector<16xf32>
      %mul3A_304 = arith.mulf %get3A_64, %get3A_303 : vector<16xf32>
      %add3A_305 = arith.addf %mul3A_304, %get3A_104 : vector<16xf32>
      %swap3A = arith.index_cast %scan3A_299 : i32 to index
      %swap3A_306 = arith.constant 0 : index
      %swap3A_307 = tpu.vector_load %arg17[%swap3A, %swap3A_306] {strides = array<i32>} : memref<64x128xf32, #tpu.memory_space<vmem>>, vector<1x16xf32>,
      %swap3A_308 = vector.shape_cast %swap3A_307 : vector<1x16xf32> to vector<16xf32>
      %swap3A_309 = vector.shape_cast %add3A_305 : vector<16xf32> to vector<1x16xf32>
      tpu.vector_store %arg17[%swap3A, %swap3A_306], %swap3A_309 {strides = array<i32>} : memref<64x128xf32, #tpu.memory_space<vmem>>, vector<1x16xf32>,
      %get3A_310 = arith.index_cast %scan3A_299 : i32 to index
      %get3A_311 = arith.constant 16 : index
      %get3A_312 = tpu.vector_load %arg17[%get3A_310, %get3A_311] {strides = array<i32>} : memref<64x128xf32, #tpu.memory_space<vmem>>, vector<1x16xf32>,
      %get3A_313 = vector.shape_cast %get3A_312 : vector<1x16xf32> to vector<16xf32>
      %mul3A_314 = arith.mulf %get3A_69, %get3A_313 : vector<16xf32>
      %add3A_315 = arith.addf %mul3A_314, %get3A_109 : vector<16xf32>
      %swap3A_316 = arith.index_cast %scan3A_299 : i32 to index
      %swap3A_317 = arith.constant 16 : index
      %swap3A_318 = tpu.vector_load %arg17[%swap3A_316, %swap3A_317] {strides = array<i32>} : memref<64x128xf32, #tpu.memory_space<vmem>>, vector<1x16xf32>,
      %swap3A_319 = vector.shape_cast %swap3A_318 : vector<1x16xf32> to vector<16xf32>
      %swap3A_320 = vector.shape_cast %add3A_315 : vector<16xf32> to vector<1x16xf32>
      tpu.vector_store %arg17[%swap3A_316, %swap3A_317], %swap3A_320 {strides = array<i32>} : memref<64x128xf32, #tpu.memory_space<vmem>>, vector<1x16xf32>,
      %get3A_321 = arith.index_cast %scan3A_299 : i32 to index
      %get3A_322 = arith.constant 32 : index
      %get3A_323 = tpu.vector_load %arg17[%get3A_321, %get3A_322] {strides = array<i32>} : memref<64x128xf32, #tpu.memory_space<vmem>>, vector<1x16xf32>,
      %get3A_324 = vector.shape_cast %get3A_323 : vector<1x16xf32> to vector<16xf32>
      %mul3A_325 = arith.mulf %get3A_74, %get3A_324 : vector<16xf32>
      %add3A_326 = arith.addf %mul3A_325, %get3A_114 : vector<16xf32>
      %swap3A_327 = arith.index_cast %scan3A_299 : i32 to index
      %swap3A_328 = arith.constant 32 : index
      %swap3A_329 = tpu.vector_load %arg17[%swap3A_327, %swap3A_328] {strides = array<i32>} : memref<64x128xf32, #tpu.memory_space<vmem>>, vector<1x16xf32>,
      %swap3A_330 = vector.shape_cast %swap3A_329 : vector<1x16xf32> to vector<16xf32>
      %swap3A_331 = vector.shape_cast %add3A_326 : vector<16xf32> to vector<1x16xf32>
      tpu.vector_store %arg17[%swap3A_327, %swap3A_328], %swap3A_331 {strides = array<i32>} : memref<64x128xf32, #tpu.memory_space<vmem>>, vector<1x16xf32>,
      %get3A_332 = arith.index_cast %scan3A_299 : i32 to index
      %get3A_333 = arith.constant 48 : index
      %get3A_334 = tpu.vector_load %arg17[%get3A_332, %get3A_333] {strides = array<i32>} : memref<64x128xf32, #tpu.memory_space<vmem>>, vector<1x16xf32>,
      %get3A_335 = vector.shape_cast %get3A_334 : vector<1x16xf32> to vector<16xf32>
      %mul3A_336 = arith.mulf %get3A_79, %get3A_335 : vector<16xf32>
      %add3A_337 = arith.addf %mul3A_336, %get3A_119 : vector<16xf32>
      %swap3A_338 = arith.index_cast %scan3A_299 : i32 to index
      %swap3A_339 = arith.constant 48 : index
      %swap3A_340 = tpu.vector_load %arg17[%swap3A_338, %swap3A_339] {strides = array<i32>} : memref<64x128xf32, #tpu.memory_space<vmem>>, vector<1x16xf32>,
      %swap3A_341 = vector.shape_cast %swap3A_340 : vector<1x16xf32> to vector<16xf32>
      %swap3A_342 = vector.shape_cast %add3A_337 : vector<16xf32> to vector<1x16xf32>
      tpu.vector_store %arg17[%swap3A_338, %swap3A_339], %swap3A_342 {strides = array<i32>} : memref<64x128xf32, #tpu.memory_space<vmem>>, vector<1x16xf32>,
      %get3A_343 = arith.index_cast %scan3A_299 : i32 to index
      %get3A_344 = arith.constant 64 : index
      %get3A_345 = tpu.vector_load %arg17[%get3A_343, %get3A_344] {strides = array<i32>} : memref<64x128xf32, #tpu.memory_space<vmem>>, vector<1x16xf32>,
      %get3A_346 = vector.shape_cast %get3A_345 : vector<1x16xf32> to vector<16xf32>
      %mul3A_347 = arith.mulf %get3A_84, %get3A_346 : vector<16xf32>
      %add3A_348 = arith.addf %mul3A_347, %get3A_124 : vector<16xf32>
      %swap3A_349 = arith.index_cast %scan3A_299 : i32 to index
      %swap3A_350 = arith.constant 64 : index
      %swap3A_351 = tpu.vector_load %arg17[%swap3A_349, %swap3A_350] {strides = array<i32>} : memref<64x128xf32, #tpu.memory_space<vmem>>, vector<1x16xf32>,
      %swap3A_352 = vector.shape_cast %swap3A_351 : vector<1x16xf32> to vector<16xf32>
      %swap3A_353 = vector.shape_cast %add3A_348 : vector<16xf32> to vector<1x16xf32>
      tpu.vector_store %arg17[%swap3A_349, %swap3A_350], %swap3A_353 {strides = array<i32>} : memref<64x128xf32, #tpu.memory_space<vmem>>, vector<1x16xf32>,
      %get3A_354 = arith.index_cast %scan3A_299 : i32 to index
      %get3A_355 = arith.constant 80 : index
      %get3A_356 = tpu.vector_load %arg17[%get3A_354, %get3A_355] {strides = array<i32>} : memref<64x128xf32, #tpu.memory_space<vmem>>, vector<1x16xf32>,
      %get3A_357 = vector.shape_cast %get3A_356 : vector<1x16xf32> to vector<16xf32>
      %mul3A_358 = arith.mulf %get3A_89, %get3A_357 : vector<16xf32>
      %add3A_359 = arith.addf %mul3A_358, %get3A_129 : vector<16xf32>
      %swap3A_360 = arith.index_cast %scan3A_299 : i32 to index
      %swap3A_361 = arith.constant 80 : index
      %swap3A_362 = tpu.vector_load %arg17[%swap3A_360, %swap3A_361] {strides = array<i32>} : memref<64x128xf32, #tpu.memory_space<vmem>>, vector<1x16xf32>,
      %swap3A_363 = vector.shape_cast %swap3A_362 : vector<1x16xf32> to vector<16xf32>
      %swap3A_364 = vector.shape_cast %add3A_359 : vector<16xf32> to vector<1x16xf32>
      tpu.vector_store %arg17[%swap3A_360, %swap3A_361], %swap3A_364 {strides = array<i32>} : memref<64x128xf32, #tpu.memory_space<vmem>>, vector<1x16xf32>,
      %get3A_365 = arith.index_cast %scan3A_299 : i32 to index
      %get3A_366 = arith.constant 96 : index
      %get3A_367 = tpu.vector_load %arg17[%get3A_365, %get3A_366] {strides = array<i32>} : memref<64x128xf32, #tpu.memory_space<vmem>>, vector<1x16xf32>,
      %get3A_368 = vector.shape_cast %get3A_367 : vector<1x16xf32> to vector<16xf32>
      %mul3A_369 = arith.mulf %get3A_94, %get3A_368 : vector<16xf32>
      %add3A_370 = arith.addf %mul3A_369, %get3A_134 : vector<16xf32>
      %swap3A_371 = arith.index_cast %scan3A_299 : i32 to index
      %swap3A_372 = arith.constant 96 : index
      %swap3A_373 = tpu.vector_load %arg17[%swap3A_371, %swap3A_372] {strides = array<i32>} : memref<64x128xf32, #tpu.memory_space<vmem>>, vector<1x16xf32>,
      %swap3A_374 = vector.shape_cast %swap3A_373 : vector<1x16xf32> to vector<16xf32>
      %swap3A_375 = vector.shape_cast %add3A_370 : vector<16xf32> to vector<1x16xf32>
      tpu.vector_store %arg17[%swap3A_371, %swap3A_372], %swap3A_375 {strides = array<i32>} : memref<64x128xf32, #tpu.memory_space<vmem>>, vector<1x16xf32>,
      %get3A_376 = arith.index_cast %scan3A_299 : i32 to index
      %get3A_377 = arith.constant 112 : index
      %get3A_378 = tpu.vector_load %arg17[%get3A_376, %get3A_377] {strides = array<i32>} : memref<64x128xf32, #tpu.memory_space<vmem>>, vector<1x16xf32>,
      %get3A_379 = vector.shape_cast %get3A_378 : vector<1x16xf32> to vector<16xf32>
      %mul3A_380 = arith.mulf %get3A_99, %get3A_379 : vector<16xf32>
      %add3A_381 = arith.addf %mul3A_380, %get3A_139 : vector<16xf32>
      %swap3A_382 = arith.index_cast %scan3A_299 : i32 to index
      %swap3A_383 = arith.constant 112 : index
      %swap3A_384 = tpu.vector_load %arg17[%swap3A_382, %swap3A_383] {strides = array<i32>} : memref<64x128xf32, #tpu.memory_space<vmem>>, vector<1x16xf32>,
      %swap3A_385 = vector.shape_cast %swap3A_384 : vector<1x16xf32> to vector<16xf32>
      %swap3A_386 = vector.shape_cast %add3A_381 : vector<16xf32> to vector<1x16xf32>
      tpu.vector_store %arg17[%swap3A_382, %swap3A_383], %swap3A_386 {strides = array<i32>} : memref<64x128xf32, #tpu.memory_space<vmem>>, vector<1x16xf32>,
    }
    %scan3A_260 = arith.constant 64 : i32
    %add3A_261 = arith.constant 448 : i32
    %add3A_262 = arith.addi %mul3A_2, %add3A_261 : i32
    %dma_start3A_263 = arith.constant 0 : i32
    %dma_start3A_264 = tpu.memref_slice %arg6[%add3A_262, %dma_start3A_263] : memref<16384x128xf32, #tpu.memory_space<hbm>> -> memref<64x128xf32, #tpu.memory_space<hbm>>
    %dma_start3A_265 = arith.constant 0 : i32
    %dma_start3A_266 = tpu.memref_slice %arg6[%add3A_262, %dma_start3A_265] : memref<16384x128xf32, #tpu.memory_space<hbm>> -> memref<64x128xf32, #tpu.memory_space<hbm>>
    tpu.enqueue_dma source(%arg17 : memref<64x128xf32, #tpu.memory_space<vmem>>) target(%dma_start3A_266 : memref<64x128xf32, #tpu.memory_space<hbm>>) target_semaphore(%arg34 : memref<!tpu.dma_semaphore, #tpu.memory_space<semaphore_mem>>)
    %dma_wait3A_267 = arith.constant 0 : i32
    %dma_wait3A_268 = tpu.memref_slice %arg6[%add3A_150, %dma_wait3A_267] : memref<16384x128xf32, #tpu.memory_space<hbm>> -> memref<64x128xf32, #tpu.memory_space<hbm>>
    %dma_wait3A_269 = arith.constant 0 : i32
    %dma_wait3A_270 = tpu.memref_slice %arg6[%add3A_150, %dma_wait3A_269] : memref<16384x128xf32, #tpu.memory_space<hbm>> -> memref<64x128xf32, #tpu.memory_space<hbm>>
    tpu.wait_dma2 semaphore(%arg27 : memref<!tpu.dma_semaphore, #tpu.memory_space<semaphore_mem>>) src(%arg10 : memref<64x128xf32, #tpu.memory_space<vmem>>) dst(%dma_wait3A_270 : memref<64x128xf32, #tpu.memory_space<hbm>>)
    %dma_wait3A_271 = arith.constant 0 : i32
    %dma_wait3A_272 = tpu.memref_slice %arg6[%add3A_166, %dma_wait3A_271] : memref<16384x128xf32, #tpu.memory_space<hbm>> -> memref<64x128xf32, #tpu.memory_space<hbm>>
    %dma_wait3A_273 = arith.constant 0 : i32
    %dma_wait3A_274 = tpu.memref_slice %arg6[%add3A_166, %dma_wait3A_273] : memref<16384x128xf32, #tpu.memory_space<hbm>> -> memref<64x128xf32, #tpu.memory_space<hbm>>
    tpu.wait_dma2 semaphore(%arg28 : memref<!tpu.dma_semaphore, #tpu.memory_space<semaphore_mem>>) src(%arg11 : memref<64x128xf32, #tpu.memory_space<vmem>>) dst(%dma_wait3A_274 : memref<64x128xf32, #tpu.memory_space<hbm>>)
    %dma_wait3A_275 = arith.constant 0 : i32
    %dma_wait3A_276 = tpu.memref_slice %arg6[%add3A_182, %dma_wait3A_275] : memref<16384x128xf32, #tpu.memory_space<hbm>> -> memref<64x128xf32, #tpu.memory_space<hbm>>
    %dma_wait3A_277 = arith.constant 0 : i32
    %dma_wait3A_278 = tpu.memref_slice %arg6[%add3A_182, %dma_wait3A_277] : memref<16384x128xf32, #tpu.memory_space<hbm>> -> memref<64x128xf32, #tpu.memory_space<hbm>>
    tpu.wait_dma2 semaphore(%arg29 : memref<!tpu.dma_semaphore, #tpu.memory_space<semaphore_mem>>) src(%arg12 : memref<64x128xf32, #tpu.memory_space<vmem>>) dst(%dma_wait3A_278 : memref<64x128xf32, #tpu.memory_space<hbm>>)
    %dma_wait3A_279 = arith.constant 0 : i32
    %dma_wait3A_280 = tpu.memref_slice %arg6[%add3A_198, %dma_wait3A_279] : memref<16384x128xf32, #tpu.memory_space<hbm>> -> memref<64x128xf32, #tpu.memory_space<hbm>>
    %dma_wait3A_281 = arith.constant 0 : i32
    %dma_wait3A_282 = tpu.memref_slice %arg6[%add3A_198, %dma_wait3A_281] : memref<16384x128xf32, #tpu.memory_space<hbm>> -> memref<64x128xf32, #tpu.memory_space<hbm>>
    tpu.wait_dma2 semaphore(%arg30 : memref<!tpu.dma_semaphore, #tpu.memory_space<semaphore_mem>>) src(%arg13 : memref<64x128xf32, #tpu.memory_space<vmem>>) dst(%dma_wait3A_282 : memref<64x128xf32, #tpu.memory_space<hbm>>)
    %dma_wait3A_283 = arith.constant 0 : i32
    %dma_wait3A_284 = tpu.memref_slice %arg6[%add3A_214, %dma_wait3A_283] : memref<16384x128xf32, #tpu.memory_space<hbm>> -> memref<64x128xf32, #tpu.memory_space<hbm>>
    %dma_wait3A_285 = arith.constant 0 : i32
    %dma_wait3A_286 = tpu.memref_slice %arg6[%add3A_214, %dma_wait3A_285] : memref<16384x128xf32, #tpu.memory_space<hbm>> -> memref<64x128xf32, #tpu.memory_space<hbm>>
    tpu.wait_dma2 semaphore(%arg31 : memref<!tpu.dma_semaphore, #tpu.memory_space<semaphore_mem>>) src(%arg14 : memref<64x128xf32, #tpu.memory_space<vmem>>) dst(%dma_wait3A_286 : memref<64x128xf32, #tpu.memory_space<hbm>>)
    %dma_wait3A_287 = arith.constant 0 : i32
    %dma_wait3A_288 = tpu.memref_slice %arg6[%add3A_230, %dma_wait3A_287] : memref<16384x128xf32, #tpu.memory_space<hbm>> -> memref<64x128xf32, #tpu.memory_space<hbm>>
    %dma_wait3A_289 = arith.constant 0 : i32
    %dma_wait3A_290 = tpu.memref_slice %arg6[%add3A_230, %dma_wait3A_289] : memref<16384x128xf32, #tpu.memory_space<hbm>> -> memref<64x128xf32, #tpu.memory_space<hbm>>
    tpu.wait_dma2 semaphore(%arg32 : memref<!tpu.dma_semaphore, #tpu.memory_space<semaphore_mem>>) src(%arg15 : memref<64x128xf32, #tpu.memory_space<vmem>>) dst(%dma_wait3A_290 : memref<64x128xf32, #tpu.memory_space<hbm>>)
    %dma_wait3A_291 = arith.constant 0 : i32
    %dma_wait3A_292 = tpu.memref_slice %arg6[%add3A_246, %dma_wait3A_291] : memref<16384x128xf32, #tpu.memory_space<hbm>> -> memref<64x128xf32, #tpu.memory_space<hbm>>
    %dma_wait3A_293 = arith.constant 0 : i32
    %dma_wait3A_294 = tpu.memref_slice %arg6[%add3A_246, %dma_wait3A_293] : memref<16384x128xf32, #tpu.memory_space<hbm>> -> memref<64x128xf32, #tpu.memory_space<hbm>>
    tpu.wait_dma2 semaphore(%arg33 : memref<!tpu.dma_semaphore, #tpu.memory_space<semaphore_mem>>) src(%arg16 : memref<64x128xf32, #tpu.memory_space<vmem>>) dst(%dma_wait3A_294 : memref<64x128xf32, #tpu.memory_space<hbm>>)
    %dma_wait3A_295 = arith.constant 0 : i32
    %dma_wait3A_296 = tpu.memref_slice %arg6[%add3A_262, %dma_wait3A_295] : memref<16384x128xf32, #tpu.memory_space<hbm>> -> memref<64x128xf32, #tpu.memory_space<hbm>>
    %dma_wait3A_297 = arith.constant 0 : i32
    %dma_wait3A_298 = tpu.memref_slice %arg6[%add3A_262, %dma_wait3A_297] : memref<16384x128xf32, #tpu.memory_space<hbm>> -> memref<64x128xf32, #tpu.memory_space<hbm>>
    tpu.wait_dma2 semaphore(%arg34 : memref<!tpu.dma_semaphore, #tpu.memory_space<semaphore_mem>>) src(%arg17 : memref<64x128xf32, #tpu.memory_space<vmem>>) dst(%dma_wait3A_298 : memref<64x128xf32, #tpu.memory_space<hbm>>)
    return
  }
}

</mosaic_0001>

<sc_bundles>
// kernel: kernel.3.cloned.1.call-start
scs
__scs_entry_jumppad:
0x0: {  	(pc) =	sbr.rel $0x88, $3  }
0x1: {  	(tag) =	ssettag $0x0;
	lr =	simm.s32 $0x1  }
0x2: {  	[smem:$0x3F9D] =	sst lr;
	_ =	strace $0xD0000000  }
0x3: {  	_ = 	snop  }
0x4: {  	_ = 	snop  }
0x5: {  	_ = 	snop  }
0x6: {  	_ = 	snop  }
0x7: {  	_ = 	snop  }
__scs_overlays_trampoline_lowered:
0x8: {  	[smem:$0x3FAC] =	sst s0  }
0x9: {  	[smem:$0x3FAD] =	sst s1  }
0xa: {  	[smem:$0x3FAE] =	sst s2  }
0xb: {  	[smem:$0x3FAF] =	sst s3  }
0xc: {  	[smem:$0x3FB0] =	sst s4  }
0xd: {  	[smem:$0x3FB1] =	sst s5  }
0xe: {  	[smem:$0x3FB2] =	sst s6  }
0xf: {  	[smem:$0x3FB3] =	sst s7  }
0x10: {  	[smem:$0x3FB4] =	sst s8  }
0x11: {  	[smem:$0x3FB5] =	sst s9;
	s0 =	simm.s32 @!p0 $0x0  }
0x12: {  	s1 =	sld [smem:$0x3F9B];
	s0 =	simm.s32 @p0 $0x1  }
0x13: {  	[smem:$0x3FB6] =	sst s0;
	s0 =	simm.s32 @!p1 $0x0  }
0x14: {  	s2 =	sld [smem:$0x3F9A];
	s0 =	simm.s32 @p1 $0x1  }
0x15: {  	[smem:$0x3FB7] =	sst s0;
	s0 =	simm.s32 @!p2 $0x0  }
0x16: {  	s3 =	sld [smem:$0x3FDB];
	s0 =	simm.s32 @p2 $0x1  }
0x17: {  	s4 =	simm.s32 $0x1BF5;
	[smem:$0x3FB9] =	sst s0  }
0x18: {  	s0 =	sld [smem:$0x3F9C];
	_ =	swait.ge [sflag:s4], $0x0  }
0x19: {  	s7 =	sld [smem:$0x3F9D]  }
0x1a: {  	s8 =	sadd.s32 $0xFFFFE003, lr  }
0x1b: {  	s9 =	sadd.s32 $0xFFFFFEF7, lr;
	s5 =	simm.s32 $0xFFFFFFFF;
	p2 =	slt.u32 s8, $0xFFFFF086  }
0x1c: {  	p1 =	slt.u32 s9, $0xF7A;
	s5 =	simm.s32 @!p2 $0x0  }
0x1d: {  	s5 =	simm.s32 @p1 $0x1;
	p0 =	seq.s32 s7, s2  }
0x1e: {  	s7 =	smul.u32 @!p0 $0xF7A, s2;
	p2 =	seq.s32 @!p0 s5, $0x0  }
0x1f: {  	s9 =	smul.u32 $0xF7A, s1;
	s8 =	simm.s32 @!p0 $0x1BF5;
	p2 =	por !p2, p0  }
0x20: {  	[sflag:s8] =	ssyncset.s32 @!p0 $0xFFFFF086;
	s6 =	sadd.s32 @!p0 s3, s7;
	s7 =	simm.s32 @!p0 $0x108  }
0x21: {  	s3 =	sadd.s32 s3, s9;
	s6 =	sadd.s32 @!p0 $0x88, s6;
	s7 =	simm.s32 @p2 $0x1082  }
0x22: {  	[simem:s7], [sflag:s8] =	dma.local @!p0 [hbm:s6], $0xF7A  }
0x23: {  	s9 =	sor.u32 $0xD0000000, s2;
	s6 =	simm.s32 $0x108;
	_ =	swait.ge @!p0 [sflag:s8], $0x0  }
0x24: {  	s3 =	sadd.s32 $0x88, s3;
	s6 =	simm.s32 @!p1 $0x1082;
	[sflag:s4] =	ssyncset.s32 $0xFFFFF086  }
0x25: {  	[simem:s6], [sflag:s4] =	dma.local [hbm:s3], $0xF7A  }
0x26: {  	[smem:$0x3F9D] =	sst s1;
	(tag) =	ssettag s2;
	_ =	strace s9  }
0x27: {  	s1 =	sld [smem:$0x3FAD]  }
0x28: {  	s2 =	sld [smem:$0x3FAE]  }
0x29: {  	s4 =	sld [smem:$0x3FB0]  }
0x2a: {  	p0 =	seq.s32 s5, $0x0;
	s5 =	sld [smem:$0x3FB1]  }
0x2b: {  	s6 =	sld [smem:$0x3FB2]  }
0x2c: {  	s7 =	sld [smem:$0x3FB3]  }
0x2d: {  	s3 =	simm.s32 $0x108;
	s8 =	sld [smem:$0x3FB4]  }
0x2e: {  	s3 =	simm.s32 @!p0 $0x1082;
	s9 =	sld [smem:$0x3FB5]  }
0x2f: {  	lr =	sadd.s32 s0, s3;
	s0 =	sld [smem:$0x3FAC]  }
0x30: {  	s3 =	sld [smem:$0x3FAF]  }
0x31: {  	[smem:$0x3FB8] =	sst s10  }
0x32: {  	s10 =	sld [smem:$0x3FB6];
	_ =	sdelay $0x3  }
0x33: {  	p0 =	seq.s32 s10, $0x1;
	s10 =	sld [smem:$0x3FB8];
	_ =	sdelay $0x3  }
0x34: {  	[smem:$0x3FB8] =	sst s10  }
0x35: {  	s10 =	sld [smem:$0x3FB7];
	_ =	sdelay $0x3  }
0x36: {  	p1 =	seq.s32 s10, $0x1;
	s10 =	sld [smem:$0x3FB8];
	_ =	sdelay $0x3  }
0x37: {  	[smem:$0x3FB8] =	sst s10  }
0x38: {  	s10 =	sld [smem:$0x3FB9]  }
0x39: {  	_ = 	snop;
	(pc) =	sbr.ind lr, $3  }
0x3a: {  	_ = 	snop  }
0x3b: {  	_ = 	snop  }
0x3c: {  	p2 =	seq.s32 s10, $0x1;
	s10 =	sld [smem:$0x3FB8]  }
0x3d: {  	_ =	shalt  }
0x3e: {  	_ =	shalt  }
0x3f: {  	_ =	shalt  }
0x40: {  	_ =	shalt  }
0x41: {  	_ =	shalt  }
0x42: {  	_ =	shalt  }
0x43: {  	_ =	shalt  }
0x44: {  	_ =	shalt  }
0x45: {  	_ =	shalt  }
0x46: {  	_ =	shalt  }
0x47: {  	_ =	shalt  }
0x48: {  	_ =	shalt  }
0x49: {  	_ =	shalt  }
0x4a: {  	_ =	shalt  }
0x4b: {  	_ =	shalt  }
0x4c: {  	_ =	shalt  }
0x4d: {  	_ =	shalt  }
0x4e: {  	_ =	shalt  }
0x4f: {  	_ =	shalt  }
0x50: {  	_ =	shalt  }
0x51: {  	_ =	shalt  }
0x52: {  	_ =	shalt  }
0x53: {  	_ =	shalt  }
0x54: {  	_ =	shalt  }
0x55: {  	_ =	shalt  }
0x56: {  	_ =	shalt  }
0x57: {  	_ =	shalt  }
0x58: {  	_ =	shalt  }
0x59: {  	_ =	shalt  }
0x5a: {  	_ =	shalt  }
0x5b: {  	_ =	shalt  }
0x5c: {  	_ =	shalt  }
0x5d: {  	_ =	shalt  }
0x5e: {  	_ =	shalt  }
0x5f: {  	_ =	shalt  }
0x60: {  	_ =	shalt  }
0x61: {  	_ =	shalt  }
0x62: {  	_ =	shalt  }
0x63: {  	_ =	shalt  }
0x64: {  	_ =	shalt  }
0x65: {  	_ =	shalt  }
0x66: {  	_ =	shalt  }
0x67: {  	_ =	shalt  }
0x68: {  	_ =	shalt  }
0x69: {  	_ =	shalt  }
0x6a: {  	_ =	shalt  }
0x6b: {  	_ =	shalt  }
0x6c: {  	_ =	shalt  }
0x6d: {  	_ =	shalt  }
0x6e: {  	_ =	shalt  }
0x6f: {  	_ =	shalt  }
0x70: {  	_ =	shalt  }
0x71: {  	_ =	shalt  }
0x72: {  	_ =	shalt  }
0x73: {  	_ =	shalt  }
0x74: {  	_ =	shalt  }
0x75: {  	_ =	shalt  }
0x76: {  	_ =	shalt  }
0x77: {  	_ =	shalt  }
0x78: {  	_ =	shalt  }
0x79: {  	_ =	shalt  }
0x7a: {  	_ =	shalt  }
0x7b: {  	_ =	shalt  }
0x7c: {  	_ =	shalt  }
0x7d: {  	_ =	shalt  }
0x7e: {  	_ =	shalt  }
0x7f: {  	_ =	shalt  }
0x80: {  	_ =	shalt  }
0x81: {  	_ =	shalt  }
0x82: {  	_ =	shalt  }
0x83: {  	_ =	shalt  }
0x84: {  	_ =	shalt  }
0x85: {  	_ =	shalt  }
0x86: {  	_ =	shalt  }
0x87: {  	_ =	shalt  }
.Lfunc_end0:
.L_simem_size_0:
called_computation_lowered:
.L_overlay_start_0:
0x88: {  	s2 =	sld [smem:$0x3FD9]  }
0x89: {  	s3 =	sld [smem:$0x3FFE];
	_ =	sdelay $0x1  }
0x8a: {  	s1 =	srdreg.scid  }
0x8b: {  	s0 =	sand.u32 $0x1, s1  }
0x8c: {  	s18 =	sshll.u32 s0, $0xA;
	s2 =	sadd.s32 s3, s2  }
0x8d: {  	s2 =	sadd.s32 s2, s18  }
0x8e: {  	[smem:$0x3FC4] =	sst s2  }
0x8f: {  	_ = 	snop  }
0x90: {  	s2 =	sld [smem:$0x3FC9]  }
0x91: {  	s19 =	sld [smem:$0x3FC8]  }
0x92: {  	s4 =	sld [smem:$0x3FC7]  }
0x93: {  	s5 =	sld [smem:$0x3FC6]  }
0x94: {  	s6 =	sld [smem:$0x3FD0];
	(tm) =	ssettm $0x1  }
0x95: {  	s7 =	sld [smem:$0x3FFB];
	_ =	sdelay $0x3  }
0x96: {  	_ =	strace s7  }
0x97: {  	s7 =	sld [smem:$0x3FFC];
	_ =	sdelay $0x3  }
0x98: {  	_ =	strace s7  }
0x99: {  	s7 =	sld [smem:$0x3FFD];
	_ =	sdelay $0x3  }
0x9a: {  	_ =	strace s7  }
0x9b: {  	_ =	strace $0x8FFFFFFF  }
0x9c: {  	s20 =	sld [smem:$0x3FDB];
	_ =	sdelay $0x1  }
0x9d: {  	s8 =	simm.s32 $_scs_section_size  }
0x9e: {  	s9 =	simm.s32 $_size__tile_overlayer_lowered;
	s10 =	simm.s32 $_tile_overlayer_lowered  }
0x9f: {  	s23 =	simm.s32 $0x1BFF;
	s22 =	sshll.u32 s10, $0x1;
	s7 =	sadd.s32 s8, s20  }
0xa0: {  	s11 =	simm.s32 $0x0;
	s21 =	sshll.u32 s9, $0x1;
	s9 =	sadd.s32 s22, s7  }
0xa1: {  	[timem:s11], [sflag:s23] =	dma.local [hbm:s9], s21  }
0xa2: {  	_ =	swait.ge [sflag:s23], s21  }
0xa3: {  	s8 =	ssub.s32 $0x0, s21;
	[sflag:s23] =	ssyncset.done $0x0  }
0xa4: {  	[sflag:s23] =	ssyncadd.s32 s8;
	_ =	sdelay $0x1  }
0xa5: {  	s24 =	simm.s32 $0x1B8B  }
0xa6: {  	_ =	swait.ge [sflag:s24], $0x1  }
0xa7: {  	[sflag:s24] =	ssyncset.done $0x0  }
0xa8: {  	s25 =	simm.s32 $0x1B8E;
	[sflag:s24] =	ssyncadd.s32 $0xFFFFFFFF  }
0xa9: {  	s26 =	simm.s32 $execute0_lowered;
	[smem:$0x3FD2] =	sst s25  }
0xaa: {  	s8 =	sshll.u32 s26, $0x1;
	_ =	strace $0x80000046;
	[dreg:$0x1] =	wrdreg $0xFFFFFFFF  }
0xab: {  	s28 =	simm.s32 $_size_execute0_lowered;
	s7 =	sadd.s32 s7, s8;
	[dreg:$0x0] =	wrdreg $0x0  }
0xac: {  	s8 =	sshll.u32 s28, $0x1;
	[dreg:$0x2] =	wrdreg s7  }
0xad: {  	[dreg:$0x3] =	wrdreg s8  }
0xae: {  	[dreg:$0x4] =	wrdreg $0xC0  }
0xaf: {  	_ =	task [dreg:s11], $0x5FFFF  }
0xb0: {  	[dreg:$0x1] =	wrdreg $0xFFFFFFFF  }
0xb1: {  	[dreg:$0x0] =	wrdreg $0x60  }
0xb2: {  	[dreg:$0x2] =	wrdreg s5  }
0xb3: {  	[dreg:$0x3] =	wrdreg s2  }
0xb4: {  	[dreg:$0x4] =	wrdreg s19  }
0xb5: {  	[dreg:$0x5] =	wrdreg s4  }
0xb6: {  	[dreg:$0x6] =	wrdreg s6  }
0xb7: {  	[dreg:$0x7] =	wrdreg $0x9  }
0xb8: {  	_ =	task.clear_ibuf [dreg:s11], $0x8FFFF;
	_ =	strace $0x90000046  }
0xb9: {  	s29 =	simm.s32 $0x9;
	_ =	strace $0x80000048  }
0xba: {  	_ =	swait.ge [sflag:s29], $0x1  }
0xbb: {  	[sflag:s29] =	ssyncadd.s32 $0xFFFFFFFF  }
0xbc: {  	_ =	strace $0x90000048  }
0xbd: {  	_ =	sfence  }
0xbe: {  	s30 =	sld [smem:$0x0];
	_ =	sdelay $0x2  }
0xbf: {  	s31 =	sshll.u32 s1, $0xD;
	s1 =	sshrl.u32 s1, $0x2  }
0xc0: {  	s3 =	sand.u32 $0x4000, s31;
	s1 =	sadd.s32 s1, s30  }
0xc1: {  	s0 =	sor.u32 s3, s0;
	s1 =	sshll.u32 s1, $0x11  }
0xc2: {  	s0 =	sor.u32 s1, s0  }
0xc3: {  	s0 =	sadd.s32 $0x8F2B, s0  }
0xc4: {  	[sflag:s0] =	ssyncadd.remote.s32 $0x1  }
0xc5: {  	_ =	sfence.sel $0xFFFF  }
0xc6: {  	[dreg:$0x0] =	wrdreg $0xFFFFFFFF;
	(pc) =	sbr.abs _section_cstart, $3  }
0xc7: {  	[dreg:$0x1] =	wrdreg $0xFFFFFFFF  }
0xc8: {  	_ =	task.clear_ibuf [dreg:s11], $0x2FFFF;
	_ =	strace $0x9FFFFFFF  }
0xc9: {  	(tm) =	ssettm $0x7FFFFFFF  }
tec
execute0_lowered:
.L_overlay_start_1:
0x0: {  	(tag) =	ssettag $0x1  }
0x1: {  	s0 =	rddreg [dreg:$0x1]  }
0x2: {  	s1 =	rddreg [dreg:$0x4]  }
0x3: {  	s5 =	simm.s32 $0x0;
	s2 =	srdreg.scid;
	s4 =	stileid.u32  }
0x4: {  	s12 =	simm.s32 $0xB;
	s13 =	simm.s32 $0xC;
	s14 =	simm.s32 $0xD  }
0x5: {  	s28 =	simm.s32 $0xE;
	s29 =	simm.s32 $0x10;
	s2 =	sand.u32 $0x1, s2  }
0x6: {  	s30 =	simm.s32 $0x0;
	[smem:$0x7FF] =	sst s5;
	s3 =	ssub.s32 $0x2, s2  }
0x7: {  	s4 =	sshll.u32 s4, $0xE;
	s2 =	sshll.u32 s2, $0xD;
	s6 =	sshrl.u32 s3, $0x1  }
0x8: {  	_ =	strace $0x80000047;
	s2 =	sor.u32 s2, s4;
	s3 =	ssub.s32 s3, s6  }
0x9: {  	s4 =	sadd.s32 s0, s2;
	s15 =	sor.u32 $0x400, s2;
	s17 =	sor.u32 $0x800, s2  }
0xa: {  	s7 =	sor.u32 $0xC00, s2;
	s23 =	sadd.s32 s1, s2;
	[dreg:$0x6] =	wrdreg s4  }
0xb: {  	s19 =	sor.u32 $0x1000, s2;
	s16 =	sadd.s32 s0, s15;
	[dreg:$0xe] =	wrdreg s23  }
0xc: {  	s20 =	sor.u32 $0x1400, s2;
	s8 =	sadd.s32 s0, s17;
	[dreg:$0x7] =	wrdreg s16  }
0xd: {  	s10 =	sor.u32 $0x1800, s2;
	s18 =	sadd.s32 s0, s7;
	[dreg:$0x8] =	wrdreg s8  }
0xe: {  	s22 =	sor.u32 $0x1C00, s2;
	s9 =	sadd.s32 s0, s19;
	[dreg:$0x9] =	wrdreg s18  }
0xf: {  	s2 =	simm.s32 $0xE180;
	s11 =	sadd.s32 s0, s20;
	[dreg:$0xa] =	wrdreg s9  }
0x10: {  	s6 =	simm.s32 $0x5;
	s21 =	sadd.s32 s0, s10;
	[dreg:$0xb] =	wrdreg s11  }
0x11: {  	s0 =	sadd.s32 s0, s22;
	s24 =	sadd.s32 s1, s15;
	[dreg:$0xc] =	wrdreg s21  }
0x12: {  	s25 =	sadd.s32 s1, s17;
	s26 =	sadd.s32 s1, s7;
	[dreg:$0xd] =	wrdreg s0  }
0x13: {  	s31 =	sadd.s32 s1, s19;
	s19 =	sadd.s32 s1, s20;
	[dreg:$0xf] =	wrdreg s24  }
0x14: {  	s20 =	sadd.s32 s1, s10;
	s23 =	simm.s32 $0x12;
	[dreg:$0x10] =	wrdreg s25  }
0x15: {  	s4 =	simm.s32 $0xA180;
	s7 =	simm.s32 $0x6;
	[dreg:$0x11] =	wrdreg s26  }
0x16: {  	s10 =	simm.s32 $0x9;
	s15 =	simm.s32 $0xF;
	[dreg:$0x12] =	wrdreg s31  }
0x17: {  	s21 =	sadd.s32 s1, s22;
	s22 =	smax.u32 s3, $0x1;
	s24 =	simm.s32 $0x1  }
0x18: {  	s0 =	simm.s32 $0x8180;
	s1 =	simm.s32 $0xC180;
	s3 =	simm.s32 $0x2  }
0x19: {  	s25 =	simm.s32 $0x3;
	s26 =	simm.s32 $0x4;
	s8 =	simm.s32 $0x7  }
0x1a: {  	s9 =	simm.s32 $0x8;
	s11 =	simm.s32 $0xA;
	s16 =	simm.s32 $0x11  }
.LBB2_1:
0x1b: {  	s17 =	rddreg [dreg:$0x0]  }
0x1c: {  	[tilespmem:s5], [sflag:$0x12] =	stream.linear.gather [hbm4b:s17+s5], $0x80, $0x38;
	[tilespmem:$0x10180] =	vst v63  }
0x1d: {  	_ =	swait.ge [sflag:s23], $0x80  }
0x1e: {  	[sflag:s23] =	ssyncset.done $0x0  }
0x1f: {  	[sflag:s23] =	ssyncadd.s32 $0xFFFFFF80  }
0x20: {  	s18 =	simm.s32 $0x80;
	s17 =	rddreg [dreg:$0x2]  }
0x21: {  	[tilespmem:s18], [sflag:$0x1] =	stream.indirect.gather [hbm4b:s17+s24], $0x80, s5, s24, $0xb8;
	[tilespmem:$0x10180] =	vst v63  }
0x22: {  	s17 =	rddreg [dreg:$0x3];
	s18 =	simm.s32 $0x100  }
0x23: {  	[tilespmem:s18], [sflag:$0x1] =	stream.indirect.gather [hbm4b:s17+s24], $0x80, s5, s24, $0xb8;
	[tilespmem:$0x10180] =	vst v63  }
0x24: {  	s17 =	rddreg [dreg:$0x6];
	s18 =	simm.s32 $0x180  }
0x25: {  	[tilespmem:s18], [sflag:$0x2] =	stream.linear.gather [hbm4b:s17+s5], $0x2000, $0x38;
	[tilespmem:$0x10180] =	vst v63  }
0x26: {  	s17 =	rddreg [dreg:$0x7];
	s18 =	simm.s32 $0x2180  }
0x27: {  	[tilespmem:s18], [sflag:$0x3] =	stream.linear.gather [hbm4b:s17+s5], $0x2000, $0x38;
	[tilespmem:$0x10180] =	vst v63  }
0x28: {  	s17 =	rddreg [dreg:$0x8];
	s18 =	simm.s32 $0x4180  }
0x29: {  	[tilespmem:s18], [sflag:$0x4] =	stream.linear.gather [hbm4b:s17+s5], $0x2000, $0x38;
	[tilespmem:$0x10180] =	vst v63  }
0x2a: {  	s17 =	rddreg [dreg:$0x9];
	s18 =	simm.s32 $0x6180  }
0x2b: {  	[tilespmem:s18], [sflag:$0x5] =	stream.linear.gather [hbm4b:s17+s5], $0x2000, $0x38;
	[tilespmem:$0x10180] =	vst v63  }
0x2c: {  	s18 =	rddreg [dreg:$0xa]  }
0x2d: {  	[tilespmem:s0], [sflag:$0x6] =	stream.linear.gather [hbm4b:s18+s5], $0x2000, $0x38;
	[tilespmem:$0x10180] =	vst v63  }
0x2e: {  	s18 =	rddreg [dreg:$0xb]  }
0x2f: {  	[tilespmem:s4], [sflag:$0x7] =	stream.linear.gather [hbm4b:s18+s5], $0x2000, $0x38;
	[tilespmem:$0x10180] =	vst v63  }
0x30: {  	s18 =	rddreg [dreg:$0xc]  }
0x31: {  	[tilespmem:s1], [sflag:$0x8] =	stream.linear.gather [hbm4b:s18+s5], $0x2000, $0x38;
	[tilespmem:$0x10180] =	vst v63  }
0x32: {  	s18 =	rddreg [dreg:$0xd]  }
0x33: {  	[tilespmem:s2], [sflag:$0x9] =	stream.linear.gather [hbm4b:s18+s5], $0x2000, $0x38;
	[tilespmem:$0x10180] =	vst v63  }
0x34: {  	_ =	swait.ge [sflag:s24], $0x80  }
0x35: {  	[sflag:s24] =	ssyncset.done $0x0  }
0x36: {  	[sflag:s24] =	ssyncadd.s32 $0xFFFFFF80  }
0x37: {  	_ =	swait.ge [sflag:s24], $0x80  }
0x38: {  	[sflag:s24] =	ssyncset.done $0x0  }
0x39: {  	[sflag:s24] =	ssyncadd.s32 $0xFFFFFF80  }
0x3a: {  	v10 =	vld [tilespmem:$0x80]  }
0x3b: {  	v12 =	vld [tilespmem:$0x90]  }
0x3c: {  	v9 =	vld [tilespmem:$0xA0]  }
0x3d: {  	v7 =	vld [tilespmem:$0xB0]  }
0x3e: {  	v5 =	vld [tilespmem:$0xC0]  }
0x3f: {  	v2 =	vld [tilespmem:$0xD0]  }
0x40: {  	v1 =	vld [tilespmem:$0xE0]  }
0x41: {  	v0 =	vld [tilespmem:$0xF0]  }
0x42: {  	v15 =	vld [tilespmem:$0x100]  }
0x43: {  	v14 =	vld [tilespmem:$0x110]  }
0x44: {  	v13 =	vld [tilespmem:$0x120]  }
0x45: {  	v11 =	vld [tilespmem:$0x130]  }
0x46: {  	v8 =	vld [tilespmem:$0x140]  }
0x47: {  	v6 =	vld [tilespmem:$0x150]  }
0x48: {  	v4 =	vld [tilespmem:$0x160]  }
0x49: {  	v3 =	vld [tilespmem:$0x170];
	_ =	swait.ge [sflag:s3], $0x2000  }
0x4a: {  	[sflag:s3] =	ssyncset.done $0x0  }
0x4b: {  	s17 =	simm.s32 $0x0;
	[sflag:s3] =	ssyncadd.s32 $0xFFFFE000  }
0x4c: {  	v16 =	vld [tilespmem:s17+$0x180]  }
0x4d: {  	v21 =	vld [tilespmem:s17+$0x190]  }
0x4e: {  	v20 =	vld [tilespmem:s17+$0x1A0]  }
0x4f: {  	v19 =	vld [tilespmem:s17+$0x1B0]  }
0x50: {  	v18 =	vld [tilespmem:s17+$0x1C0]  }
0x51: {  	v17 =	vld [tilespmem:s17+$0x1D0];
	v22 =	vmul.f32 v16, v10  }
0x52: {  	s31 =	simm.s32 $0x200;
	v21 =	vmul.f32 v21, v12;
	v16 =	vld [tilespmem:s17+$0x1E0]  }
.LBB2_2:
0x53: {  	p0 =	sne.s32 s31, $0x7E00;
	v22 =	vadd.f32 v22, v15;
	v20 =	vmul.f32 v20, v9;
	v23 =	vld [tilespmem:s17+$0x1F0]  }
0x54: {  	v21 =	vadd.f32 v21, v14;
	v19 =	vmul.f32 v19, v7  }
0x55: {  	s18 =	sshra.s32 s31, $0x2;
	[tilespmem:s17+$0x180] =	vst v22;
	v20 =	vadd.f32 v20, v13;
	v18 =	vmul.f32 v18, v5  }
0x56: {  	v22 =	vld [tilespmem:s18+$0x180];
	[tilespmem:s17+$0x190] =	vst v21;
	v19 =	vadd.f32 v19, v11;
	v17 =	vmul.f32 v17, v2  }
0x57: {  	v21 =	vld [tilespmem:s18+$0x190];
	[tilespmem:s17+$0x1A0] =	vst v20;
	v18 =	vadd.f32 v18, v8;
	v16 =	vmul.f32 v16, v1  }
.Ltmp0:
0x58: {  	v20 =	vld [tilespmem:s18+$0x1A0];
	[tilespmem:s17+$0x1B0] =	vst v19;
	v17 =	vadd.f32 v17, v6;
	v23 =	vmul.f32 v23, v0;
	(pc) =	sbr.rel @p0 .LBB2_2-.Ltmp0, $4  }
0x59: {  	v19 =	vld [tilespmem:s18+$0x1B0];
	[tilespmem:s17+$0x1C0] =	vst v18;
	v16 =	vadd.f32 v16, v4  }
0x5a: {  	v18 =	vld [tilespmem:s18+$0x1C0];
	[tilespmem:s17+$0x1D0] =	vst v17;
	v23 =	vadd.f32 v23, v3  }
0x5b: {  	v22 =	vmul.f32 v22, v10;
	v17 =	vld [tilespmem:s18+$0x1D0];
	[tilespmem:s17+$0x1E0] =	vst v16  }
0x5c: {  	s31 =	sadd.s32 $0x200, s31;
	v21 =	vmul.f32 v21, v12;
	v16 =	vld [tilespmem:s18+$0x1E0];
	[tilespmem:s17+$0x1F0] =	vst v23;
	s17 =	smov.u32 s18  }
0x5d: {  	v22 =	vadd.f32 v22, v15;
	v20 =	vmul.f32 v20, v9;
	v23 =	vld [tilespmem:s17+$0x1F0]  }
0x5e: {  	v21 =	vadd.f32 v21, v14;
	v19 =	vmul.f32 v19, v7  }
0x5f: {  	[tilespmem:s17+$0x180] =	vst v22;
	v20 =	vadd.f32 v20, v13;
	v18 =	vmul.f32 v18, v5  }
0x60: {  	[tilespmem:s17+$0x190] =	vst v21;
	v19 =	vadd.f32 v19, v11;
	v17 =	vmul.f32 v17, v2  }
0x61: {  	[tilespmem:s17+$0x1A0] =	vst v20;
	v18 =	vadd.f32 v18, v8;
	v16 =	vmul.f32 v16, v1  }
0x62: {  	[tilespmem:s17+$0x1B0] =	vst v19;
	v17 =	vadd.f32 v17, v6;
	v19 =	vmul.f32 v23, v0  }
0x63: {  	[tilespmem:s17+$0x1C0] =	vst v18;
	v16 =	vadd.f32 v16, v4  }
0x64: {  	[tilespmem:s17+$0x1D0] =	vst v17;
	v17 =	vadd.f32 v19, v3  }
0x65: {  	[tilespmem:s17+$0x1E0] =	vst v16  }
0x66: {  	s18 =	rddreg [dreg:$0xe];
	s31 =	simm.s32 $0x180;
	[tilespmem:s17+$0x1F0] =	vst v17;
	s17 =	simm.s32 $0x0  }
0x67: {  	[hbm4b:s18+s17] =	stream.linear.scatter [tilespmem:s31], [sflag:$0xA], $0x2000, $0x38;
	[tilespmem:$0x10180] =	vst v63  }
0x68: {  	_ =	swait.ge [sflag:s25], $0x2000  }
0x69: {  	[sflag:s25] =	ssyncset.done $0x0  }
0x6a: {  	s17 =	simm.s32 $0x0;
	[sflag:s25] =	ssyncadd.s32 $0xFFFFE000  }
0x6b: {  	v16 =	vld [tilespmem:s17+$0x2180]  }
0x6c: {  	v21 =	vld [tilespmem:s17+$0x2190]  }
0x6d: {  	v20 =	vld [tilespmem:s17+$0x21A0]  }
0x6e: {  	v19 =	vld [tilespmem:s17+$0x21B0]  }
0x6f: {  	v18 =	vld [tilespmem:s17+$0x21C0]  }
0x70: {  	v17 =	vld [tilespmem:s17+$0x21D0];
	v22 =	vmul.f32 v16, v10  }
0x71: {  	s31 =	simm.s32 $0x200;
	v21 =	vmul.f32 v21, v12;
	v16 =	vld [tilespmem:s17+$0x21E0]  }
.LBB2_4:
0x72: {  	p0 =	sne.s32 s31, $0x7E00;
	v22 =	vadd.f32 v22, v15;
	v20 =	vmul.f32 v20, v9;
	v23 =	vld [tilespmem:s17+$0x21F0]  }
0x73: {  	v21 =	vadd.f32 v21, v14;
	v19 =	vmul.f32 v19, v7  }
0x74: {  	s18 =	sshra.s32 s31, $0x2;
	[tilespmem:s17+$0x2180] =	vst v22;
	v20 =	vadd.f32 v20, v13;
	v18 =	vmul.f32 v18, v5  }
0x75: {  	v22 =	vld [tilespmem:s18+$0x2180];
	[tilespmem:s17+$0x2190] =	vst v21;
	v19 =	vadd.f32 v19, v11;
	v17 =	vmul.f32 v17, v2  }
0x76: {  	v21 =	vld [tilespmem:s18+$0x2190];
	[tilespmem:s17+$0x21A0] =	vst v20;
	v18 =	vadd.f32 v18, v8;
	v16 =	vmul.f32 v16, v1  }
.Ltmp1:
0x77: {  	v20 =	vld [tilespmem:s18+$0x21A0];
	[tilespmem:s17+$0x21B0] =	vst v19;
	v17 =	vadd.f32 v17, v6;
	v23 =	vmul.f32 v23, v0;
	(pc) =	sbr.rel @p0 .LBB2_4-.Ltmp1, $4  }
0x78: {  	v19 =	vld [tilespmem:s18+$0x21B0];
	[tilespmem:s17+$0x21C0] =	vst v18;
	v16 =	vadd.f32 v16, v4  }
0x79: {  	v18 =	vld [tilespmem:s18+$0x21C0];
	[tilespmem:s17+$0x21D0] =	vst v17;
	v23 =	vadd.f32 v23, v3  }
0x7a: {  	v22 =	vmul.f32 v22, v10;
	v17 =	vld [tilespmem:s18+$0x21D0];
	[tilespmem:s17+$0x21E0] =	vst v16  }
0x7b: {  	s31 =	sadd.s32 $0x200, s31;
	v21 =	vmul.f32 v21, v12;
	v16 =	vld [tilespmem:s18+$0x21E0];
	[tilespmem:s17+$0x21F0] =	vst v23;
	s17 =	smov.u32 s18  }
0x7c: {  	v22 =	vadd.f32 v22, v15;
	v20 =	vmul.f32 v20, v9;
	v23 =	vld [tilespmem:s17+$0x21F0]  }
0x7d: {  	v21 =	vadd.f32 v21, v14;
	v19 =	vmul.f32 v19, v7  }
0x7e: {  	[tilespmem:s17+$0x2180] =	vst v22;
	v20 =	vadd.f32 v20, v13;
	v18 =	vmul.f32 v18, v5  }
0x7f: {  	[tilespmem:s17+$0x2190] =	vst v21;
	v19 =	vadd.f32 v19, v11;
	v17 =	vmul.f32 v17, v2  }
0x80: {  	[tilespmem:s17+$0x21A0] =	vst v20;
	v18 =	vadd.f32 v18, v8;
	v16 =	vmul.f32 v16, v1  }
0x81: {  	[tilespmem:s17+$0x21B0] =	vst v19;
	v17 =	vadd.f32 v17, v6;
	v19 =	vmul.f32 v23, v0  }
0x82: {  	[tilespmem:s17+$0x21C0] =	vst v18;
	v16 =	vadd.f32 v16, v4  }
0x83: {  	[tilespmem:s17+$0x21D0] =	vst v17;
	v17 =	vadd.f32 v19, v3  }
0x84: {  	[tilespmem:s17+$0x21E0] =	vst v16  }
0x85: {  	s18 =	rddreg [dreg:$0xf];
	s31 =	simm.s32 $0x2180;
	[tilespmem:s17+$0x21F0] =	vst v17;
	s17 =	simm.s32 $0x0  }
0x86: {  	[hbm4b:s18+s17] =	stream.linear.scatter [tilespmem:s31], [sflag:$0xB], $0x2000, $0x38;
	[tilespmem:$0x10180] =	vst v63  }
0x87: {  	_ =	swait.ge [sflag:s26], $0x2000  }
0x88: {  	[sflag:s26] =	ssyncset.done $0x0  }
0x89: {  	s17 =	simm.s32 $0x0;
	[sflag:s26] =	ssyncadd.s32 $0xFFFFE000  }
0x8a: {  	v16 =	vld [tilespmem:s17+$0x4180]  }
0x8b: {  	v21 =	vld [tilespmem:s17+$0x4190]  }
0x8c: {  	v20 =	vld [tilespmem:s17+$0x41A0]  }
0x8d: {  	v19 =	vld [tilespmem:s17+$0x41B0]  }
0x8e: {  	v18 =	vld [tilespmem:s17+$0x41C0]  }
0x8f: {  	v17 =	vld [tilespmem:s17+$0x41D0];
	v22 =	vmul.f32 v16, v10  }
0x90: {  	s31 =	simm.s32 $0x200;
	v21 =	vmul.f32 v21, v12;
	v16 =	vld [tilespmem:s17+$0x41E0]  }
.LBB2_6:
0x91: {  	p0 =	sne.s32 s31, $0x7E00;
	v22 =	vadd.f32 v22, v15;
	v20 =	vmul.f32 v20, v9;
	v23 =	vld [tilespmem:s17+$0x41F0]  }
0x92: {  	v21 =	vadd.f32 v21, v14;
	v19 =	vmul.f32 v19, v7  }
0x93: {  	s18 =	sshra.s32 s31, $0x2;
	[tilespmem:s17+$0x4180] =	vst v22;
	v20 =	vadd.f32 v20, v13;
	v18 =	vmul.f32 v18, v5  }
0x94: {  	v22 =	vld [tilespmem:s18+$0x4180];
	[tilespmem:s17+$0x4190] =	vst v21;
	v19 =	vadd.f32 v19, v11;
	v17 =	vmul.f32 v17, v2  }
0x95: {  	v21 =	vld [tilespmem:s18+$0x4190];
	[tilespmem:s17+$0x41A0] =	vst v20;
	v18 =	vadd.f32 v18, v8;
	v16 =	vmul.f32 v16, v1  }
.Ltmp2:
0x96: {  	v20 =	vld [tilespmem:s18+$0x41A0];
	[tilespmem:s17+$0x41B0] =	vst v19;
	v17 =	vadd.f32 v17, v6;
	v23 =	vmul.f32 v23, v0;
	(pc) =	sbr.rel @p0 .LBB2_6-.Ltmp2, $4  }
0x97: {  	v19 =	vld [tilespmem:s18+$0x41B0];
	[tilespmem:s17+$0x41C0] =	vst v18;
	v16 =	vadd.f32 v16, v4  }
0x98: {  	v18 =	vld [tilespmem:s18+$0x41C0];
	[tilespmem:s17+$0x41D0] =	vst v17;
	v23 =	vadd.f32 v23, v3  }
0x99: {  	v22 =	vmul.f32 v22, v10;
	v17 =	vld [tilespmem:s18+$0x41D0];
	[tilespmem:s17+$0x41E0] =	vst v16  }
0x9a: {  	s31 =	sadd.s32 $0x200, s31;
	v21 =	vmul.f32 v21, v12;
	v16 =	vld [tilespmem:s18+$0x41E0];
	[tilespmem:s17+$0x41F0] =	vst v23;
	s17 =	smov.u32 s18  }
0x9b: {  	v22 =	vadd.f32 v22, v15;
	v20 =	vmul.f32 v20, v9;
	v23 =	vld [tilespmem:s17+$0x41F0]  }
0x9c: {  	v21 =	vadd.f32 v21, v14;
	v19 =	vmul.f32 v19, v7  }
0x9d: {  	[tilespmem:s17+$0x4180] =	vst v22;
	v20 =	vadd.f32 v20, v13;
	v18 =	vmul.f32 v18, v5  }
0x9e: {  	[tilespmem:s17+$0x4190] =	vst v21;
	v19 =	vadd.f32 v19, v11;
	v17 =	vmul.f32 v17, v2  }
0x9f: {  	[tilespmem:s17+$0x41A0] =	vst v20;
	v18 =	vadd.f32 v18, v8;
	v16 =	vmul.f32 v16, v1  }
0xa0: {  	[tilespmem:s17+$0x41B0] =	vst v19;
	v17 =	vadd.f32 v17, v6;
	v19 =	vmul.f32 v23, v0  }
0xa1: {  	[tilespmem:s17+$0x41C0] =	vst v18;
	v16 =	vadd.f32 v16, v4  }
0xa2: {  	[tilespmem:s17+$0x41D0] =	vst v17;
	v17 =	vadd.f32 v19, v3  }
0xa3: {  	[tilespmem:s17+$0x41E0] =	vst v16  }
0xa4: {  	s18 =	rddreg [dreg:$0x10];
	s31 =	simm.s32 $0x4180;
	[tilespmem:s17+$0x41F0] =	vst v17;
	s17 =	simm.s32 $0x0  }
0xa5: {  	[hbm4b:s18+s17] =	stream.linear.scatter [tilespmem:s31], [sflag:$0xC], $0x2000, $0x38;
	[tilespmem:$0x10180] =	vst v63  }
0xa6: {  	_ =	swait.ge [sflag:s6], $0x2000  }
0xa7: {  	[sflag:s6] =	ssyncset.done $0x0  }
0xa8: {  	s17 =	simm.s32 $0x0;
	[sflag:s6] =	ssyncadd.s32 $0xFFFFE000  }
0xa9: {  	v16 =	vld [tilespmem:s17+$0x6180]  }
0xaa: {  	v21 =	vld [tilespmem:s17+$0x6190]  }
0xab: {  	v20 =	vld [tilespmem:s17+$0x61A0]  }
0xac: {  	v19 =	vld [tilespmem:s17+$0x61B0]  }
0xad: {  	v18 =	vld [tilespmem:s17+$0x61C0]  }
0xae: {  	v17 =	vld [tilespmem:s17+$0x61D0];
	v22 =	vmul.f32 v16, v10  }
0xaf: {  	s31 =	simm.s32 $0x200;
	v21 =	vmul.f32 v21, v12;
	v16 =	vld [tilespmem:s17+$0x61E0]  }
.LBB2_8:
0xb0: {  	p0 =	sne.s32 s31, $0x7E00;
	v22 =	vadd.f32 v22, v15;
	v20 =	vmul.f32 v20, v9;
	v23 =	vld [tilespmem:s17+$0x61F0]  }
0xb1: {  	v21 =	vadd.f32 v21, v14;
	v19 =	vmul.f32 v19, v7  }
0xb2: {  	s18 =	sshra.s32 s31, $0x2;
	[tilespmem:s17+$0x6180] =	vst v22;
	v20 =	vadd.f32 v20, v13;
	v18 =	vmul.f32 v18, v5  }
0xb3: {  	v22 =	vld [tilespmem:s18+$0x6180];
	[tilespmem:s17+$0x6190] =	vst v21;
	v19 =	vadd.f32 v19, v11;
	v17 =	vmul.f32 v17, v2  }
0xb4: {  	v21 =	vld [tilespmem:s18+$0x6190];
	[tilespmem:s17+$0x61A0] =	vst v20;
	v18 =	vadd.f32 v18, v8;
	v16 =	vmul.f32 v16, v1  }
.Ltmp3:
0xb5: {  	v20 =	vld [tilespmem:s18+$0x61A0];
	[tilespmem:s17+$0x61B0] =	vst v19;
	v17 =	vadd.f32 v17, v6;
	v23 =	vmul.f32 v23, v0;
	(pc) =	sbr.rel @p0 .LBB2_8-.Ltmp3, $4  }
0xb6: {  	v19 =	vld [tilespmem:s18+$0x61B0];
	[tilespmem:s17+$0x61C0] =	vst v18;
	v16 =	vadd.f32 v16, v4  }
0xb7: {  	v18 =	vld [tilespmem:s18+$0x61C0];
	[tilespmem:s17+$0x61D0] =	vst v17;
	v23 =	vadd.f32 v23, v3  }
0xb8: {  	v22 =	vmul.f32 v22, v10;
	v17 =	vld [tilespmem:s18+$0x61D0];
	[tilespmem:s17+$0x61E0] =	vst v16  }
0xb9: {  	s31 =	sadd.s32 $0x200, s31;
	v21 =	vmul.f32 v21, v12;
	v16 =	vld [tilespmem:s18+$0x61E0];
	[tilespmem:s17+$0x61F0] =	vst v23;
	s17 =	smov.u32 s18  }
0xba: {  	v22 =	vadd.f32 v22, v15;
	v20 =	vmul.f32 v20, v9;
	v23 =	vld [tilespmem:s17+$0x61F0]  }
0xbb: {  	v21 =	vadd.f32 v21, v14;
	v19 =	vmul.f32 v19, v7  }
0xbc: {  	[tilespmem:s17+$0x6180] =	vst v22;
	v20 =	vadd.f32 v20, v13;
	v18 =	vmul.f32 v18, v5  }
0xbd: {  	[tilespmem:s17+$0x6190] =	vst v21;
	v19 =	vadd.f32 v19, v11;
	v17 =	vmul.f32 v17, v2  }
0xbe: {  	[tilespmem:s17+$0x61A0] =	vst v20;
	v18 =	vadd.f32 v18, v8;
	v16 =	vmul.f32 v16, v1  }
0xbf: {  	[tilespmem:s17+$0x61B0] =	vst v19;
	v17 =	vadd.f32 v17, v6;
	v19 =	vmul.f32 v23, v0  }
0xc0: {  	[tilespmem:s17+$0x61C0] =	vst v18;
	v16 =	vadd.f32 v16, v4  }
0xc1: {  	[tilespmem:s17+$0x61D0] =	vst v17;
	v17 =	vadd.f32 v19, v3  }
0xc2: {  	[tilespmem:s17+$0x61E0] =	vst v16  }
0xc3: {  	s18 =	rddreg [dreg:$0x11];
	s31 =	simm.s32 $0x6180;
	[tilespmem:s17+$0x61F0] =	vst v17;
	s17 =	simm.s32 $0x0  }
0xc4: {  	[hbm4b:s18+s17] =	stream.linear.scatter [tilespmem:s31], [sflag:$0xD], $0x2000, $0x38;
	[tilespmem:$0x10180] =	vst v63  }
0xc5: {  	_ =	swait.ge [sflag:s7], $0x2000  }
0xc6: {  	[sflag:s7] =	ssyncset.done $0x0  }
0xc7: {  	s17 =	simm.s32 $0x0;
	[sflag:s7] =	ssyncadd.s32 $0xFFFFE000  }
0xc8: {  	v16 =	vld [tilespmem:s17+$0x8180]  }
0xc9: {  	v21 =	vld [tilespmem:s17+$0x8190]  }
0xca: {  	v20 =	vld [tilespmem:s17+$0x81A0]  }
0xcb: {  	v19 =	vld [tilespmem:s17+$0x81B0]  }
0xcc: {  	v18 =	vld [tilespmem:s17+$0x81C0]  }
0xcd: {  	v17 =	vld [tilespmem:s17+$0x81D0];
	v22 =	vmul.f32 v16, v10  }
0xce: {  	s31 =	simm.s32 $0x200;
	v21 =	vmul.f32 v21, v12;
	v16 =	vld [tilespmem:s17+$0x81E0]  }
.LBB2_10:
0xcf: {  	p0 =	sne.s32 s31, $0x7E00;
	v22 =	vadd.f32 v22, v15;
	v20 =	vmul.f32 v20, v9;
	v23 =	vld [tilespmem:s17+$0x81F0]  }
0xd0: {  	v21 =	vadd.f32 v21, v14;
	v19 =	vmul.f32 v19, v7  }
0xd1: {  	s18 =	sshra.s32 s31, $0x2;
	[tilespmem:s17+$0x8180] =	vst v22;
	v20 =	vadd.f32 v20, v13;
	v18 =	vmul.f32 v18, v5  }
0xd2: {  	v22 =	vld [tilespmem:s18+$0x8180];
	[tilespmem:s17+$0x8190] =	vst v21;
	v19 =	vadd.f32 v19, v11;
	v17 =	vmul.f32 v17, v2  }
0xd3: {  	v21 =	vld [tilespmem:s18+$0x8190];
	[tilespmem:s17+$0x81A0] =	vst v20;
	v18 =	vadd.f32 v18, v8;
	v16 =	vmul.f32 v16, v1  }
.Ltmp4:
0xd4: {  	v20 =	vld [tilespmem:s18+$0x81A0];
	[tilespmem:s17+$0x81B0] =	vst v19;
	v17 =	vadd.f32 v17, v6;
	v23 =	vmul.f32 v23, v0;
	(pc) =	sbr.rel @p0 .LBB2_10-.Ltmp4, $4  }
0xd5: {  	v19 =	vld [tilespmem:s18+$0x81B0];
	[tilespmem:s17+$0x81C0] =	vst v18;
	v16 =	vadd.f32 v16, v4  }
0xd6: {  	v18 =	vld [tilespmem:s18+$0x81C0];
	[tilespmem:s17+$0x81D0] =	vst v17;
	v23 =	vadd.f32 v23, v3  }
0xd7: {  	v22 =	vmul.f32 v22, v10;
	v17 =	vld [tilespmem:s18+$0x81D0];
	[tilespmem:s17+$0x81E0] =	vst v16  }
0xd8: {  	s31 =	sadd.s32 $0x200, s31;
	v21 =	vmul.f32 v21, v12;
	v16 =	vld [tilespmem:s18+$0x81E0];
	[tilespmem:s17+$0x81F0] =	vst v23;
	s17 =	smov.u32 s18  }
0xd9: {  	v22 =	vadd.f32 v22, v15;
	v20 =	vmul.f32 v20, v9;
	v23 =	vld [tilespmem:s17+$0x81F0]  }
0xda: {  	v21 =	vadd.f32 v21, v14;
	v19 =	vmul.f32 v19, v7  }
0xdb: {  	[tilespmem:s17+$0x8180] =	vst v22;
	v20 =	vadd.f32 v20, v13;
	v18 =	vmul.f32 v18, v5  }
0xdc: {  	[tilespmem:s17+$0x8190] =	vst v21;
	v19 =	vadd.f32 v19, v11;
	v17 =	vmul.f32 v17, v2  }
0xdd: {  	[tilespmem:s17+$0x81A0] =	vst v20;
	v18 =	vadd.f32 v18, v8;
	v16 =	vmul.f32 v16, v1  }
0xde: {  	[tilespmem:s17+$0x81B0] =	vst v19;
	v17 =	vadd.f32 v17, v6;
	v19 =	vmul.f32 v23, v0  }
0xdf: {  	[tilespmem:s17+$0x81C0] =	vst v18;
	v16 =	vadd.f32 v16, v4  }
0xe0: {  	[tilespmem:s17+$0x81D0] =	vst v17;
	v17 =	vadd.f32 v19, v3  }
0xe1: {  	[tilespmem:s17+$0x81E0] =	vst v16  }
0xe2: {  	s18 =	rddreg [dreg:$0x12];
	[tilespmem:s17+$0x81F0] =	vst v17;
	s17 =	simm.s32 $0x0  }
0xe3: {  	[hbm4b:s18+s17] =	stream.linear.scatter [tilespmem:s0], [sflag:$0xE], $0x2000, $0x38;
	[tilespmem:$0x10180] =	vst v63  }
0xe4: {  	_ =	swait.ge [sflag:s8], $0x2000  }
0xe5: {  	[sflag:s8] =	ssyncset.done $0x0  }
0xe6: {  	s17 =	simm.s32 $0x0;
	[sflag:s8] =	ssyncadd.s32 $0xFFFFE000  }
0xe7: {  	v16 =	vld [tilespmem:s17+$0xA180]  }
0xe8: {  	v21 =	vld [tilespmem:s17+$0xA190]  }
0xe9: {  	v20 =	vld [tilespmem:s17+$0xA1A0]  }
0xea: {  	v19 =	vld [tilespmem:s17+$0xA1B0]  }
0xeb: {  	v18 =	vld [tilespmem:s17+$0xA1C0]  }
0xec: {  	v17 =	vld [tilespmem:s17+$0xA1D0];
	v22 =	vmul.f32 v16, v10  }
0xed: {  	s31 =	simm.s32 $0x200;
	v21 =	vmul.f32 v21, v12;
	v16 =	vld [tilespmem:s17+$0xA1E0]  }
.LBB2_12:
0xee: {  	p0 =	sne.s32 s31, $0x7E00;
	v22 =	vadd.f32 v22, v15;
	v20 =	vmul.f32 v20, v9;
	v23 =	vld [tilespmem:s17+$0xA1F0]  }
0xef: {  	v21 =	vadd.f32 v21, v14;
	v19 =	vmul.f32 v19, v7  }
0xf0: {  	s18 =	sshra.s32 s31, $0x2;
	[tilespmem:s17+$0xA180] =	vst v22;
	v20 =	vadd.f32 v20, v13;
	v18 =	vmul.f32 v18, v5  }
0xf1: {  	v22 =	vld [tilespmem:s18+$0xA180];
	[tilespmem:s17+$0xA190] =	vst v21;
	v19 =	vadd.f32 v19, v11;
	v17 =	vmul.f32 v17, v2  }
0xf2: {  	v21 =	vld [tilespmem:s18+$0xA190];
	[tilespmem:s17+$0xA1A0] =	vst v20;
	v18 =	vadd.f32 v18, v8;
	v16 =	vmul.f32 v16, v1  }
.Ltmp5:
0xf3: {  	v20 =	vld [tilespmem:s18+$0xA1A0];
	[tilespmem:s17+$0xA1B0] =	vst v19;
	v17 =	vadd.f32 v17, v6;
	v23 =	vmul.f32 v23, v0;
	(pc) =	sbr.rel @p0 .LBB2_12-.Ltmp5, $4  }
0xf4: {  	v19 =	vld [tilespmem:s18+$0xA1B0];
	[tilespmem:s17+$0xA1C0] =	vst v18;
	v16 =	vadd.f32 v16, v4  }
0xf5: {  	v18 =	vld [tilespmem:s18+$0xA1C0];
	[tilespmem:s17+$0xA1D0] =	vst v17;
	v23 =	vadd.f32 v23, v3  }
0xf6: {  	v22 =	vmul.f32 v22, v10;
	v17 =	vld [tilespmem:s18+$0xA1D0];
	[tilespmem:s17+$0xA1E0] =	vst v16  }
0xf7: {  	s31 =	sadd.s32 $0x200, s31;
	v21 =	vmul.f32 v21, v12;
	v16 =	vld [tilespmem:s18+$0xA1E0];
	[tilespmem:s17+$0xA1F0] =	vst v23;
	s17 =	smov.u32 s18  }
0xf8: {  	v22 =	vadd.f32 v22, v15;
	v20 =	vmul.f32 v20, v9;
	v23 =	vld [tilespmem:s17+$0xA1F0]  }
0xf9: {  	v21 =	vadd.f32 v21, v14;
	v19 =	vmul.f32 v19, v7  }
0xfa: {  	[tilespmem:s17+$0xA180] =	vst v22;
	v20 =	vadd.f32 v20, v13;
	v18 =	vmul.f32 v18, v5  }
0xfb: {  	[tilespmem:s17+$0xA190] =	vst v21;
	v19 =	vadd.f32 v19, v11;
	v17 =	vmul.f32 v17, v2  }
0xfc: {  	[tilespmem:s17+$0xA1A0] =	vst v20;
	v18 =	vadd.f32 v18, v8;
	v16 =	vmul.f32 v16, v1  }
0xfd: {  	[tilespmem:s17+$0xA1B0] =	vst v19;
	v17 =	vadd.f32 v17, v6;
	v19 =	vmul.f32 v23, v0  }
0xfe: {  	[tilespmem:s17+$0xA1C0] =	vst v18;
	v16 =	vadd.f32 v16, v4  }
0xff: {  	[tilespmem:s17+$0xA1D0] =	vst v17;
	v17 =	vadd.f32 v19, v3  }
0x100: {  	[tilespmem:s17+$0xA1E0] =	vst v16  }
0x101: {  	s18 =	simm.s32 $0x0;
	[tilespmem:s17+$0xA1F0] =	vst v17  }
0x102: {  	[hbm4b:s19+s18] =	stream.linear.scatter [tilespmem:s4], [sflag:$0xF], $0x2000, $0x38;
	[tilespmem:$0x10180] =	vst v63  }
0x103: {  	_ =	swait.ge [sflag:s9], $0x2000  }
0x104: {  	[sflag:s9] =	ssyncset.done $0x0  }
0x105: {  	s17 =	simm.s32 $0x0;
	[sflag:s9] =	ssyncadd.s32 $0xFFFFE000  }
0x106: {  	v16 =	vld [tilespmem:s17+$0xC180]  }
0x107: {  	v21 =	vld [tilespmem:s17+$0xC190]  }
0x108: {  	v20 =	vld [tilespmem:s17+$0xC1A0]  }
0x109: {  	v19 =	vld [tilespmem:s17+$0xC1B0]  }
0x10a: {  	v18 =	vld [tilespmem:s17+$0xC1C0]  }
0x10b: {  	v17 =	vld [tilespmem:s17+$0xC1D0];
	v22 =	vmul.f32 v16, v10  }
0x10c: {  	s31 =	simm.s32 $0x200;
	v21 =	vmul.f32 v21, v12;
	v16 =	vld [tilespmem:s17+$0xC1E0]  }
.LBB2_14:
0x10d: {  	p0 =	sne.s32 s31, $0x7E00;
	v22 =	vadd.f32 v22, v15;
	v20 =	vmul.f32 v20, v9;
	v23 =	vld [tilespmem:s17+$0xC1F0]  }
0x10e: {  	v21 =	vadd.f32 v21, v14;
	v19 =	vmul.f32 v19, v7  }
0x10f: {  	s18 =	sshra.s32 s31, $0x2;
	[tilespmem:s17+$0xC180] =	vst v22;
	v20 =	vadd.f32 v20, v13;
	v18 =	vmul.f32 v18, v5  }
0x110: {  	v22 =	vld [tilespmem:s18+$0xC180];
	[tilespmem:s17+$0xC190] =	vst v21;
	v19 =	vadd.f32 v19, v11;
	v17 =	vmul.f32 v17, v2  }
0x111: {  	v21 =	vld [tilespmem:s18+$0xC190];
	[tilespmem:s17+$0xC1A0] =	vst v20;
	v18 =	vadd.f32 v18, v8;
	v16 =	vmul.f32 v16, v1  }
.Ltmp6:
0x112: {  	v20 =	vld [tilespmem:s18+$0xC1A0];
	[tilespmem:s17+$0xC1B0] =	vst v19;
	v17 =	vadd.f32 v17, v6;
	v23 =	vmul.f32 v23, v0;
	(pc) =	sbr.rel @p0 .LBB2_14-.Ltmp6, $4  }
0x113: {  	v19 =	vld [tilespmem:s18+$0xC1B0];
	[tilespmem:s17+$0xC1C0] =	vst v18;
	v16 =	vadd.f32 v16, v4  }
0x114: {  	v18 =	vld [tilespmem:s18+$0xC1C0];
	[tilespmem:s17+$0xC1D0] =	vst v17;
	v23 =	vadd.f32 v23, v3  }
0x115: {  	v22 =	vmul.f32 v22, v10;
	v17 =	vld [tilespmem:s18+$0xC1D0];
	[tilespmem:s17+$0xC1E0] =	vst v16  }
0x116: {  	s31 =	sadd.s32 $0x200, s31;
	v21 =	vmul.f32 v21, v12;
	v16 =	vld [tilespmem:s18+$0xC1E0];
	[tilespmem:s17+$0xC1F0] =	vst v23;
	s17 =	smov.u32 s18  }
0x117: {  	v22 =	vadd.f32 v22, v15;
	v20 =	vmul.f32 v20, v9;
	v23 =	vld [tilespmem:s17+$0xC1F0]  }
0x118: {  	v21 =	vadd.f32 v21, v14;
	v19 =	vmul.f32 v19, v7  }
0x119: {  	[tilespmem:s17+$0xC180] =	vst v22;
	v20 =	vadd.f32 v20, v13;
	v18 =	vmul.f32 v18, v5  }
0x11a: {  	[tilespmem:s17+$0xC190] =	vst v21;
	v19 =	vadd.f32 v19, v11;
	v17 =	vmul.f32 v17, v2  }
0x11b: {  	[tilespmem:s17+$0xC1A0] =	vst v20;
	v18 =	vadd.f32 v18, v8;
	v16 =	vmul.f32 v16, v1  }
0x11c: {  	[tilespmem:s17+$0xC1B0] =	vst v19;
	v17 =	vadd.f32 v17, v6;
	v19 =	vmul.f32 v23, v0  }
0x11d: {  	[tilespmem:s17+$0xC1C0] =	vst v18;
	v16 =	vadd.f32 v16, v4  }
0x11e: {  	[tilespmem:s17+$0xC1D0] =	vst v17;
	v17 =	vadd.f32 v19, v3  }
0x11f: {  	[tilespmem:s17+$0xC1E0] =	vst v16  }
0x120: {  	s18 =	simm.s32 $0x0;
	[tilespmem:s17+$0xC1F0] =	vst v17  }
0x121: {  	[hbm4b:s20+s18] =	stream.linear.scatter [tilespmem:s1], [sflag:$0x10], $0x2000, $0x38;
	[tilespmem:$0x10180] =	vst v63  }
0x122: {  	_ =	swait.ge [sflag:s10], $0x2000  }
0x123: {  	[sflag:s10] =	ssyncset.done $0x0  }
0x124: {  	s17 =	simm.s32 $0x0;
	[sflag:s10] =	ssyncadd.s32 $0xFFFFE000  }
0x125: {  	v16 =	vld [tilespmem:s17+$0xE180]  }
0x126: {  	v21 =	vld [tilespmem:s17+$0xE190]  }
0x127: {  	v20 =	vld [tilespmem:s17+$0xE1A0]  }
0x128: {  	v19 =	vld [tilespmem:s17+$0xE1B0]  }
0x129: {  	v18 =	vld [tilespmem:s17+$0xE1C0]  }
0x12a: {  	v17 =	vld [tilespmem:s17+$0xE1D0];
	v22 =	vmul.f32 v16, v10  }
0x12b: {  	s31 =	simm.s32 $0x200;
	v21 =	vmul.f32 v21, v12;
	v16 =	vld [tilespmem:s17+$0xE1E0]  }
.LBB2_16:
0x12c: {  	p0 =	sne.s32 s31, $0x7E00;
	v22 =	vadd.f32 v22, v15;
	v20 =	vmul.f32 v20, v9;
	v23 =	vld [tilespmem:s17+$0xE1F0]  }
0x12d: {  	v21 =	vadd.f32 v21, v14;
	v19 =	vmul.f32 v19, v7  }
0x12e: {  	s18 =	sshra.s32 s31, $0x2;
	[tilespmem:s17+$0xE180] =	vst v22;
	v20 =	vadd.f32 v20, v13;
	v18 =	vmul.f32 v18, v5  }
0x12f: {  	v22 =	vld [tilespmem:s18+$0xE180];
	[tilespmem:s17+$0xE190] =	vst v21;
	v19 =	vadd.f32 v19, v11;
	v17 =	vmul.f32 v17, v2  }
0x130: {  	v21 =	vld [tilespmem:s18+$0xE190];
	[tilespmem:s17+$0xE1A0] =	vst v20;
	v18 =	vadd.f32 v18, v8;
	v16 =	vmul.f32 v16, v1  }
.Ltmp7:
0x131: {  	v20 =	vld [tilespmem:s18+$0xE1A0];
	[tilespmem:s17+$0xE1B0] =	vst v19;
	v17 =	vadd.f32 v17, v6;
	v23 =	vmul.f32 v23, v0;
	(pc) =	sbr.rel @p0 .LBB2_16-.Ltmp7, $4  }
0x132: {  	v19 =	vld [tilespmem:s18+$0xE1B0];
	[tilespmem:s17+$0xE1C0] =	vst v18;
	v16 =	vadd.f32 v16, v4  }
0x133: {  	v18 =	vld [tilespmem:s18+$0xE1C0];
	[tilespmem:s17+$0xE1D0] =	vst v17;
	v23 =	vadd.f32 v23, v3  }
0x134: {  	v22 =	vmul.f32 v22, v10;
	v17 =	vld [tilespmem:s18+$0xE1D0];
	[tilespmem:s17+$0xE1E0] =	vst v16  }
0x135: {  	s31 =	sadd.s32 $0x200, s31;
	v21 =	vmul.f32 v21, v12;
	v16 =	vld [tilespmem:s18+$0xE1E0];
	[tilespmem:s17+$0xE1F0] =	vst v23;
	s17 =	smov.u32 s18  }
0x136: {  	v10 =	vadd.f32 v22, v15;
	v9 =	vmul.f32 v20, v9;
	v12 =	vld [tilespmem:s17+$0xE1F0]  }
0x137: {  	v14 =	vadd.f32 v21, v14;
	v7 =	vmul.f32 v19, v7  }
0x138: {  	[tilespmem:s17+$0xE180] =	vst v10;
	v9 =	vadd.f32 v9, v13;
	v5 =	vmul.f32 v18, v5  }
0x139: {  	[tilespmem:s17+$0xE190] =	vst v14;
	v7 =	vadd.f32 v7, v11;
	v2 =	vmul.f32 v17, v2  }
0x13a: {  	[tilespmem:s17+$0xE1A0] =	vst v9;
	v5 =	vadd.f32 v5, v8;
	v1 =	vmul.f32 v16, v1  }
0x13b: {  	[tilespmem:s17+$0xE1B0] =	vst v7;
	v2 =	vadd.f32 v2, v6;
	v0 =	vmul.f32 v12, v0  }
0x13c: {  	[tilespmem:s17+$0xE1C0] =	vst v5;
	v1 =	vadd.f32 v1, v4  }
0x13d: {  	[tilespmem:s17+$0xE1D0] =	vst v2;
	v0 =	vadd.f32 v0, v3  }
0x13e: {  	[tilespmem:s17+$0xE1E0] =	vst v1  }
0x13f: {  	[tilespmem:s17+$0xE1F0] =	vst v0  }
0x140: {  	[hbm4b:s21+s5] =	stream.linear.scatter [tilespmem:s2], [sflag:$0x11], $0x2000, $0x38;
	[tilespmem:$0x10180] =	vst v63  }
0x141: {  	_ =	swait.ge [sflag:s11], $0x2000  }
0x142: {  	[sflag:s11] =	ssyncset.done $0x0  }
0x143: {  	[sflag:s11] =	ssyncadd.s32 $0xFFFFE000  }
0x144: {  	_ =	swait.ge [sflag:s12], $0x2000  }
0x145: {  	[sflag:s12] =	ssyncset.done $0x0  }
0x146: {  	[sflag:s12] =	ssyncadd.s32 $0xFFFFE000  }
0x147: {  	_ =	swait.ge [sflag:s13], $0x2000  }
0x148: {  	[sflag:s13] =	ssyncset.done $0x0  }
0x149: {  	[sflag:s13] =	ssyncadd.s32 $0xFFFFE000  }
0x14a: {  	_ =	swait.ge [sflag:s14], $0x2000  }
0x14b: {  	[sflag:s14] =	ssyncset.done $0x0  }
0x14c: {  	[sflag:s14] =	ssyncadd.s32 $0xFFFFE000  }
0x14d: {  	_ =	swait.ge [sflag:s28], $0x2000  }
0x14e: {  	[sflag:s28] =	ssyncset.done $0x0  }
0x14f: {  	[sflag:s28] =	ssyncadd.s32 $0xFFFFE000  }
0x150: {  	_ =	swait.ge [sflag:s15], $0x2000  }
0x151: {  	[sflag:s15] =	ssyncset.done $0x0  }
0x152: {  	s30 =	sadd.s32 $0x1, s30;
	[sflag:s15] =	ssyncadd.s32 $0xFFFFE000  }
0x153: {  	p0 =	sne.s32 s30, s22;
	_ =	swait.ge [sflag:s29], $0x2000  }
.Ltmp8:
0x154: {  	[sflag:s29] =	ssyncset.done $0x0;
	(pc) =	sbr.rel @p0 .LBB2_1-.Ltmp8, $4  }
0x155: {  	[sflag:s29] =	ssyncadd.s32 $0xFFFFE000  }
0x156: {  	_ =	swait.ge [sflag:s16], $0x2000  }
0x157: {  	[sflag:s16] =	ssyncset.done $0x0  }
0x158: {  	[sflag:s16] =	ssyncadd.s32 $0xFFFFE000  }
0x159: {  	_ =	sfence.sel $0x180000  }
0x15a: {  	[bflag:$0x0] =	sbarrier.arrive $0xFFFF  }
0x15b: {  	_ =	strace $0x90000047  }
0x15c: {  	s0 =	stileid.u32;
	[bflag:$0x2] =	sbarrier.arrive $0xFFFF  }
0x15d: {  	p0 =	sne.s32 s0, $0x0;
	s0 =	rddreg [dreg:$0x5]  }
0x15e: {  	s0 =	sadd.s32 @!p0 $0x100000, s0  }
0x15f: {  	[sflag:s0] =	ssyncadd.tile.s32 @!p0 $0x1;
	_ =	shalt  }
.Lfunc_end2:
_tile_overlayer_lowered:
.L_overlay_start_2:
0x160: {  	(tag) =	ssettag $0x2  }
0x161: {  	s0 =	rddreg [dreg:$0x0];
	s2 =	stileid.u32  }
0x162: {  	s1 =	rddreg [dreg:$0x1];
	p0 =	sne.s32 s2, $0x0  }
0x163: {  	s3 =	rddreg [dreg:$0x2];
	[bflag:$0x3] =	sbarrier.arrive $0xFFFF;
	s2 =	simm.s32 @!p0 $0x1C12  }
0x164: {  	[timem:s3], [sflag:s2] =	dma.local @!p0 [hbm:s0], s1  }
0x165: {  	s0 =	simm.s32 @!p0 $0x12  }
0x166: {  	_ =	swait.ge @!p0 [sflag:s0], s1  }
0x167: {  	s1 =	ssub.s32 @!p0 $0x0, s1;
	[sflag:s0] =	ssyncset.done @!p0 $0x0  }
0x168: {  	[sflag:s0] =	ssyncadd.s32 @!p0 s1  }
0x169: {  	[bflag:$0x3] =	sbarrier.arrive $0xFFFF  }
0x16a: {  	_ =	shalt  }

</sc_bundles>
